<compile_context>
chip_gen: v7x
topology: tpu7x:2x2x1
jax: 0.10.2.dev20260603
libtpu: 0.0.44.dev20260713+nightly
codegen_flags: <defaults>
</compile_context>

<pallas_src>
import functools

import jax
import jax.numpy as jnp
from jax import lax
from jax.experimental import pallas as pl
from jax.experimental.pallas import tpu as pltpu
from jax.experimental.pallas import tpu_sc as plsc

_ALPHA = 16.0
_NEG = -1e30


def _pass_a_body(x_ref, aaug_ref, h_ref, ls_ref, *, e, r):
    si = pl.program_id(1)
    x = x_ref[0]
    hf = jax.lax.dot_general(
        x.astype(jnp.bfloat16), aaug_ref[...], (((1,), (1,)), ((), ())),
        preferred_element_type=jnp.float32)
    h_ref[0] = hf.astype(jnp.bfloat16)
    part = jnp.sum(hf[:, e * r:e * r + 2 * e], axis=0, keepdims=True)

    @pl.when(si == 0)
    def _():
        ls_ref[0] = part

    @pl.when(si != 0)
    def _():
        ls_ref[0] = ls_ref[0] + part


def _take(x, idx):
    return x.at[idx].get(mode="promise_in_bounds")


def _bfly_max(x):
    iota = lax.broadcasted_iota(jnp.int32, (16,), 0)
    for k in (8, 4, 2, 1):
        x = jnp.maximum(x, _take(x, iota ^ k))
    return x


def _bfly_min(x):
    iota = lax.broadcasted_iota(jnp.int32, (16,), 0)
    for k in (8, 4, 2, 1):
        x = jnp.minimum(x, _take(x, iota ^ k))
    return x


def _sc_router_body(ls_ref, bias_ref, w_ref, ls_v, bias_v, w_v,
                    *, nb, e, r, s_total):
    wid = lax.axis_index("s") * 2 + lax.axis_index("c")

    @pl.when(wid == 0)
    def _():
        pltpu.sync_copy(ls_ref, ls_v)
        pltpu.sync_copy(bias_ref, bias_v)
        iota = lax.broadcasted_iota(jnp.int32, (16,), 0)
        scaling = _ALPHA / r
        for b in range(nb):
            logits = ls_v[b] * (1.0 / s_total) + bias_v[b]
            v0 = _bfly_max(logits)
            i0 = _bfly_min(jnp.where(logits == v0, iota, 16))
            masked = jnp.where(iota == i0, _NEG, logits)
            v1 = _bfly_max(masked)
            i1 = _bfly_min(jnp.where(masked == v1, iota, 16))
            t = jnp.exp(v1 - v0)
            wv = (jnp.where(iota == i0, scaling / (1.0 + t), 0.0)
                  + jnp.where(iota == i1, scaling * t / (1.0 + t), 0.0))
            w_v[b] = wv
        pltpu.sync_copy(w_v, w_ref)


def _pass_b_body(h_ref, w_ref, baug_ref, out_ref, bs_ref):
    si = pl.program_id(1)

    @pl.when(si == 0)
    def _():
        rowexp = lax.broadcasted_iota(jnp.int32, (256, 16), 0) // 16
        lane = lax.broadcasted_iota(jnp.int32, (256, 16), 1)
        wcol = jnp.sum(jnp.where(rowexp == lane, w_ref[0], 0.0),
                       axis=1, keepdims=True)
        bs_ref[...] = (baug_ref[...] * wcol).astype(jnp.bfloat16)

    out_ref[0] = jax.lax.dot_general(
        h_ref[0], bs_ref[...], (((1,), (0,)), ((), ())),
        preferred_element_type=jnp.float32)


def kernel(hidden_states, task_id, mode_id, W_gate, task_bias, mode_bias, A, Bw):
    b, s_total, d = hidden_states.shape
    e, r, _ = A.shape
    ts = 1024
    nt = s_total // ts
    kcols = 256

    a_aug = jnp.concatenate(
        [A.reshape(e * r, d).astype(jnp.bfloat16),
         W_gate.astype(jnp.bfloat16),
         jnp.zeros((kcols - e * r - e, d), jnp.bfloat16)], axis=0)
    b_aug = jnp.concatenate(
        [Bw.transpose(0, 2, 1).reshape(e * r, d),
         jnp.zeros((kcols - e * r, d), jnp.float32)], axis=0)
    bias = (jnp.take(task_bias, task_id, axis=0)
            + jnp.take(mode_bias, mode_id, axis=0))
    bias16 = jnp.concatenate(
        [bias, jnp.full((b, 2 * e - e), _NEG, jnp.float32)], axis=1)

    h, ls = pl.pallas_call(
        functools.partial(_pass_a_body, e=e, r=r),
        grid=(b, nt),
        in_specs=[
            pl.BlockSpec((1, ts, d), lambda bi, si: (bi, si, 0)),
            pl.BlockSpec((kcols, d), lambda bi, si: (0, 0)),
        ],
        out_specs=[
            pl.BlockSpec((1, ts, kcols), lambda bi, si: (bi, si, 0)),
            pl.BlockSpec((1, 1, 2 * e), lambda bi, si: (bi, 0, 0)),
        ],
        out_shape=[
            jax.ShapeDtypeStruct((b, s_total, kcols), jnp.bfloat16),
            jax.ShapeDtypeStruct((b, 1, 2 * e), jnp.float32),
        ],
    )(hidden_states, a_aug)

    mesh = plsc.VectorSubcoreMesh(core_axis_name="c", subcore_axis_name="s")
    w_exp = pl.kernel(
        functools.partial(_sc_router_body, nb=b, e=e, r=r, s_total=s_total),
        mesh=mesh,
        out_type=jax.ShapeDtypeStruct((b, 2 * e), jnp.float32),
        scratch_types=[
            pltpu.VMEM((b, 2 * e), jnp.float32),
            pltpu.VMEM((b, 2 * e), jnp.float32),
            pltpu.VMEM((b, 2 * e), jnp.float32),
        ],
    )(ls.reshape(b, 2 * e), bias16)

    return pl.pallas_call(
        _pass_b_body,
        grid=(b, nt),
        in_specs=[
            pl.BlockSpec((1, ts, kcols), lambda bi, si: (bi, si, 0)),
            pl.BlockSpec((1, 1, 2 * e), lambda bi, si: (bi, 0, 0)),
            pl.BlockSpec((kcols, d), lambda bi, si: (0, 0)),
        ],
        out_specs=pl.BlockSpec((1, ts, d), lambda bi, si: (bi, si, 0)),
        out_shape=jax.ShapeDtypeStruct((b, s_total, d), jnp.float32),
        scratch_shapes=[pltpu.VMEM((kcols, d), jnp.bfloat16)],
    )(h, w_exp.reshape(b, 1, 2 * e), b_aug)

# --- scband reference (transcript-rebuilt; emitter-appended) ---
"""Pipeline reference for scband-ta-pecl-block-72997264163302 (READ-ONLY COPY).

The authoritative reference and input builder live on the scoring server;
editing this copy changes nothing except your own understanding.
"""

import jax, jax.numpy as jnp
import numpy as np

E = 8
TOPK = 2
D = 2048
R = 16
T = 4
M = 2
ALPHA = 16.0
B = 4
S = 2048


def setup_inputs(seed: int = 0) -> dict:
    key = jax.random.key(seed)
    ks = jax.random.split(key, 8)
    hidden_states = jax.random.normal(ks[0], (B, S, D), dtype=jnp.float32)
    task_id = jax.random.randint(ks[1], (B,), 0, T, dtype=jnp.int32)
    mode_id = jax.random.randint(ks[2], (B,), 0, M, dtype=jnp.int32)
    W_gate = jax.random.normal(ks[3], (E, D), dtype=jnp.float32) * 0.01
    # biases per SoftPriorRouter._initialize_biases
    task_bias = np.full((T, E), -1.0, dtype=np.float32)
    mode_bias = np.full((M, E), -1.0, dtype=np.float32)
    for i in range(E):
        task_bias[i % T, i] = 3.0
        mode_bias[i % M, i] = 2.0
    task_bias = jnp.asarray(task_bias)
    mode_bias = jnp.asarray(mode_bias)
    # LoRA params: A ~ kaiming-ish, B nonzero small (torch zero-init would make output trivially zero)
    A = jax.random.normal(ks[4], (E, R, D), dtype=jnp.float32) * (1.0 / np.sqrt(D))
    Bw = jax.random.normal(ks[5], (E, D, R), dtype=jnp.float32) * 0.01
    return {"hidden_states": hidden_states, "task_id": task_id, "mode_id": mode_id,
            "W_gate": W_gate, "task_bias": task_bias, "mode_bias": mode_bias,
            "A": A, "Bw": Bw}


def reference(hidden_states, task_id, mode_id, W_gate, task_bias, mode_bias, A, Bw):
    # ---- SoftPriorRouter (eval mode: no noise, no dropout) ----
    x_pooled = hidden_states.mean(axis=1)                 # [B, D]
    dynamic_logits = x_pooled @ W_gate.T                  # [B, E]
    t_bias = jnp.take(task_bias, task_id, axis=0)         # [B, E]
    m_bias = jnp.take(mode_bias, mode_id, axis=0)         # [B, E]
    total_logits = dynamic_logits + t_bias + m_bias
    top_k_logits, indices = jax.lax.top_k(total_logits, TOPK)   # [B, K]
    weights = jax.nn.softmax(top_k_logits, axis=-1)             # [B, K]
    # ---- dispatch: every expert runs densely on hidden_states, weighted per-sample ----
    scaling = ALPHA / R
    final_output = jnp.zeros_like(hidden_states)
    for e in range(E):
        h = hidden_states @ A[e].T                         # [B, S, R]
        expert_out = (h @ Bw[e].T) * scaling               # [B, S, D]
        mask = (indices == e).astype(weights.dtype)        # [B, K]
        sample_weight = (weights * mask).sum(axis=1)[:, None, None]
        final_output = final_output + sample_weight * expert_out
    return final_output

if __name__ == "__main__":
    import jax
    _d = setup_inputs()
    print(jax.jit(kernel)(*tuple(_d.values())))

</pallas_src>

<mosaic_0001>
#map = affine_map<(d0, d1) -> (0, 0)>
module attributes {stable_mosaic.version = 14 : i64} {
  func.func @_sc_router_body(%arg0: i32, %arg1: i32, %arg2: memref<4x16xf32, #tpu.memory_space<hbm>>, %arg3: memref<4x16xf32, #tpu.memory_space<hbm>>, %arg4: memref<4x16xf32, #tpu.memory_space<hbm>>, %arg5: memref<4x16xf32, #tpu.memory_space<vmem>>, %arg6: memref<4x16xf32, #tpu.memory_space<vmem>>, %arg7: memref<4x16xf32, #tpu.memory_space<vmem>>) attributes {dimension_semantics = [#tpu.dimension_semantics<core_parallel>, #tpu.dimension_semantics<subcore_parallel>], iteration_bounds = array<i64: 2, 16>, scalar_prefetch = 0 : i64, scratch_operands = 3 : i64, tpu.core_type = #tpu.core_type<sc_vector_subcore>, window_params = [{transform_indices = #map}, {transform_indices = #map}, {transform_indices = #map}]} {
    %mul3A = arith.constant 2 : i32
    %mul3A_0 = arith.muli %arg1, %mul3A : i32
    %add3A = arith.addi %mul3A_0, %arg0 : i32
    %eq3A = arith.constant 0 : i32
    %eq3A_1 = arith.cmpi eq, %add3A, %eq3A : i32
    %convert_element_type3A = arith.extui %eq3A_1 : i1 to i32
    %cond3A = arith.constant 0 : i32
    %cond3A_2 = arith.cmpi ne, %convert_element_type3A, %cond3A : i32
    scf.if %cond3A_2 {
      "tpu.region"() ({
        %run_scoped3A = tpu.sem_alloc : memref<!tpu.dma_semaphore, #tpu.memory_space<semaphore_mem>>
        tpu.enqueue_dma source(%arg2 : memref<4x16xf32, #tpu.memory_space<hbm>>) target(%arg5 : memref<4x16xf32, #tpu.memory_space<vmem>>) target_semaphore(%run_scoped3A : memref<!tpu.dma_semaphore, #tpu.memory_space<semaphore_mem>>)
        tpu.wait_dma2 semaphore(%run_scoped3A : memref<!tpu.dma_semaphore, #tpu.memory_space<semaphore_mem>>) src(%arg2 : memref<4x16xf32, #tpu.memory_space<hbm>>) dst(%arg5 : memref<4x16xf32, #tpu.memory_space<vmem>>)
        tpu.yield
      }) : () -> ()
      "tpu.region"() ({
        %run_scoped3A = tpu.sem_alloc : memref<!tpu.dma_semaphore, #tpu.memory_space<semaphore_mem>>
        tpu.enqueue_dma source(%arg3 : memref<4x16xf32, #tpu.memory_space<hbm>>) target(%arg6 : memref<4x16xf32, #tpu.memory_space<vmem>>) target_semaphore(%run_scoped3A : memref<!tpu.dma_semaphore, #tpu.memory_space<semaphore_mem>>)
        tpu.wait_dma2 semaphore(%run_scoped3A : memref<!tpu.dma_semaphore, #tpu.memory_space<semaphore_mem>>) src(%arg3 : memref<4x16xf32, #tpu.memory_space<hbm>>) dst(%arg6 : memref<4x16xf32, #tpu.memory_space<vmem>>)
        tpu.yield
      }) : () -> ()
      %iota3A = tpu.iota {dimensions = array<i32: 0>} : vector<16xi32>
      %get3A = arith.constant 0 : i32
      %get3A_3 = arith.index_cast %get3A : i32 to index
      %get3A_4 = arith.constant 0 : index
      %get3A_5 = tpu.vector_load %arg5[%get3A_3, %get3A_4] {strides = array<i32>} : memref<4x16xf32, #tpu.memory_space<vmem>>, vector<1x16xf32>,
      %get3A_6 = vector.shape_cast %get3A_5 : vector<1x16xf32> to vector<16xf32>
      %mul3A_7 = arith.constant 4.8828125E-4 : f32
      %mul3A_8 = vector.broadcast %mul3A_7 : f32 to vector<16xf32>
      %mul3A_9 = arith.mulf %get3A_6, %mul3A_8 : vector<16xf32>
      %get3A_10 = arith.constant 0 : i32
      %get3A_11 = arith.index_cast %get3A_10 : i32 to index
      %get3A_12 = arith.constant 0 : index
      %get3A_13 = tpu.vector_load %arg6[%get3A_11, %get3A_12] {strides = array<i32>} : memref<4x16xf32, #tpu.memory_space<vmem>>, vector<1x16xf32>,
      %get3A_14 = vector.shape_cast %get3A_13 : vector<1x16xf32> to vector<16xf32>
      %add3A_15 = arith.addf %mul3A_9, %get3A_14 : vector<16xf32>
      %iota3A_16 = tpu.iota {dimensions = array<i32: 0>} : vector<16xi32>
      %xor3A = arith.constant 8 : i32
      %xor3A_17 = vector.broadcast %xor3A : i32 to vector<16xi32>
      %xor3A_18 = arith.xori %iota3A_16, %xor3A_17 : vector<16xi32>
      %lt3A = arith.constant 0 : i32
      %lt3A_19 = vector.broadcast %lt3A : i32 to vector<16xi32>
      %lt3A_20 = arith.cmpi slt, %xor3A_18, %lt3A_19 : vector<16xi32>
      %add3A_21 = arith.constant 16 : i32
      %add3A_22 = vector.broadcast %add3A_21 : i32 to vector<16xi32>
      %add3A_23 = arith.addi %xor3A_18, %add3A_22 : vector<16xi32>
      %select_n3A = arith.select %lt3A_20, %add3A_23, %xor3A_18 : vector<16xi1>, vector<16xi32>
      %broadcast_in_dim3A = vector.shape_cast %select_n3A : vector<16xi32> to vector<16x1xi32>
      %gather3A = vector.shape_cast %broadcast_in_dim3A : vector<16x1xi32> to vector<16xi32>
      %gather3A_24 = tpu.dynamic_gather %add3A_15[%gather3A] in [0] : vector<16xf32>, vector<16xi32> -> vector<16xf32>
      %max3A = arith.maximumf %add3A_15, %gather3A_24 : vector<16xf32>
      %xor3A_25 = arith.constant 4 : i32
      %xor3A_26 = vector.broadcast %xor3A_25 : i32 to vector<16xi32>
      %xor3A_27 = arith.xori %iota3A_16, %xor3A_26 : vector<16xi32>
      %lt3A_28 = arith.constant 0 : i32
      %lt3A_29 = vector.broadcast %lt3A_28 : i32 to vector<16xi32>
      %lt3A_30 = arith.cmpi slt, %xor3A_27, %lt3A_29 : vector<16xi32>
      %add3A_31 = arith.constant 16 : i32
      %add3A_32 = vector.broadcast %add3A_31 : i32 to vector<16xi32>
      %add3A_33 = arith.addi %xor3A_27, %add3A_32 : vector<16xi32>
      %select_n3A_34 = arith.select %lt3A_30, %add3A_33, %xor3A_27 : vector<16xi1>, vector<16xi32>
      %broadcast_in_dim3A_35 = vector.shape_cast %select_n3A_34 : vector<16xi32> to vector<16x1xi32>
      %gather3A_36 = vector.shape_cast %broadcast_in_dim3A_35 : vector<16x1xi32> to vector<16xi32>
      %gather3A_37 = tpu.dynamic_gather %max3A[%gather3A_36] in [0] : vector<16xf32>, vector<16xi32> -> vector<16xf32>
      %max3A_38 = arith.maximumf %max3A, %gather3A_37 : vector<16xf32>
      %xor3A_39 = arith.constant 2 : i32
      %xor3A_40 = vector.broadcast %xor3A_39 : i32 to vector<16xi32>
      %xor3A_41 = arith.xori %iota3A_16, %xor3A_40 : vector<16xi32>
      %lt3A_42 = arith.constant 0 : i32
      %lt3A_43 = vector.broadcast %lt3A_42 : i32 to vector<16xi32>
      %lt3A_44 = arith.cmpi slt, %xor3A_41, %lt3A_43 : vector<16xi32>
      %add3A_45 = arith.constant 16 : i32
      %add3A_46 = vector.broadcast %add3A_45 : i32 to vector<16xi32>
      %add3A_47 = arith.addi %xor3A_41, %add3A_46 : vector<16xi32>
      %select_n3A_48 = arith.select %lt3A_44, %add3A_47, %xor3A_41 : vector<16xi1>, vector<16xi32>
      %broadcast_in_dim3A_49 = vector.shape_cast %select_n3A_48 : vector<16xi32> to vector<16x1xi32>
      %gather3A_50 = vector.shape_cast %broadcast_in_dim3A_49 : vector<16x1xi32> to vector<16xi32>
      %gather3A_51 = tpu.dynamic_gather %max3A_38[%gather3A_50] in [0] : vector<16xf32>, vector<16xi32> -> vector<16xf32>
      %max3A_52 = arith.maximumf %max3A_38, %gather3A_51 : vector<16xf32>
      %xor3A_53 = arith.constant 1 : i32
      %xor3A_54 = vector.broadcast %xor3A_53 : i32 to vector<16xi32>
      %xor3A_55 = arith.xori %iota3A_16, %xor3A_54 : vector<16xi32>
      %lt3A_56 = arith.constant 0 : i32
      %lt3A_57 = vector.broadcast %lt3A_56 : i32 to vector<16xi32>
      %lt3A_58 = arith.cmpi slt, %xor3A_55, %lt3A_57 : vector<16xi32>
      %add3A_59 = arith.constant 16 : i32
      %add3A_60 = vector.broadcast %add3A_59 : i32 to vector<16xi32>
      %add3A_61 = arith.addi %xor3A_55, %add3A_60 : vector<16xi32>
      %select_n3A_62 = arith.select %lt3A_58, %add3A_61, %xor3A_55 : vector<16xi1>, vector<16xi32>
      %broadcast_in_dim3A_63 = vector.shape_cast %select_n3A_62 : vector<16xi32> to vector<16x1xi32>
      %gather3A_64 = vector.shape_cast %broadcast_in_dim3A_63 : vector<16x1xi32> to vector<16xi32>
      %gather3A_65 = tpu.dynamic_gather %max3A_52[%gather3A_64] in [0] : vector<16xf32>, vector<16xi32> -> vector<16xf32>
      %max3A_66 = arith.maximumf %max3A_52, %gather3A_65 : vector<16xf32>
      %eq3A_67 = arith.cmpf oeq, %add3A_15, %max3A_66 : vector<16xf32>
      %jit3A = arith.constant 16 : i32
      %broadcast_in_dim3A_68 = vector.broadcast %jit3A : i32 to vector<16xi32>
      %select_n3A_69 = arith.select %eq3A_67, %iota3A, %broadcast_in_dim3A_68 : vector<16xi1>, vector<16xi32>
      %iota3A_70 = tpu.iota {dimensions = array<i32: 0>} : vector<16xi32>
      %xor3A_71 = arith.constant 8 : i32
      %xor3A_72 = vector.broadcast %xor3A_71 : i32 to vector<16xi32>
      %xor3A_73 = arith.xori %iota3A_70, %xor3A_72 : vector<16xi32>
      %lt3A_74 = arith.constant 0 : i32
      %lt3A_75 = vector.broadcast %lt3A_74 : i32 to vector<16xi32>
      %lt3A_76 = arith.cmpi slt, %xor3A_73, %lt3A_75 : vector<16xi32>
      %add3A_77 = arith.constant 16 : i32
      %add3A_78 = vector.broadcast %add3A_77 : i32 to vector<16xi32>
      %add3A_79 = arith.addi %xor3A_73, %add3A_78 : vector<16xi32>
      %select_n3A_80 = arith.select %lt3A_76, %add3A_79, %xor3A_73 : vector<16xi1>, vector<16xi32>
      %broadcast_in_dim3A_81 = vector.shape_cast %select_n3A_80 : vector<16xi32> to vector<16x1xi32>
      %gather3A_82 = vector.shape_cast %broadcast_in_dim3A_81 : vector<16x1xi32> to vector<16xi32>
      %gather3A_83 = tpu.dynamic_gather %select_n3A_69[%gather3A_82] in [0] : vector<16xi32>, vector<16xi32> -> vector<16xi32>
      %min3A = arith.minsi %select_n3A_69, %gather3A_83 : vector<16xi32>
      %xor3A_84 = arith.constant 4 : i32
      %xor3A_85 = vector.broadcast %xor3A_84 : i32 to vector<16xi32>
      %xor3A_86 = arith.xori %iota3A_70, %xor3A_85 : vector<16xi32>
      %lt3A_87 = arith.constant 0 : i32
      %lt3A_88 = vector.broadcast %lt3A_87 : i32 to vector<16xi32>
      %lt3A_89 = arith.cmpi slt, %xor3A_86, %lt3A_88 : vector<16xi32>
      %add3A_90 = arith.constant 16 : i32
      %add3A_91 = vector.broadcast %add3A_90 : i32 to vector<16xi32>
      %add3A_92 = arith.addi %xor3A_86, %add3A_91 : vector<16xi32>
      %select_n3A_93 = arith.select %lt3A_89, %add3A_92, %xor3A_86 : vector<16xi1>, vector<16xi32>
      %broadcast_in_dim3A_94 = vector.shape_cast %select_n3A_93 : vector<16xi32> to vector<16x1xi32>
      %gather3A_95 = vector.shape_cast %broadcast_in_dim3A_94 : vector<16x1xi32> to vector<16xi32>
      %gather3A_96 = tpu.dynamic_gather %min3A[%gather3A_95] in [0] : vector<16xi32>, vector<16xi32> -> vector<16xi32>
      %min3A_97 = arith.minsi %min3A, %gather3A_96 : vector<16xi32>
      %xor3A_98 = arith.constant 2 : i32
      %xor3A_99 = vector.broadcast %xor3A_98 : i32 to vector<16xi32>
      %xor3A_100 = arith.xori %iota3A_70, %xor3A_99 : vector<16xi32>
      %lt3A_101 = arith.constant 0 : i32
      %lt3A_102 = vector.broadcast %lt3A_101 : i32 to vector<16xi32>
      %lt3A_103 = arith.cmpi slt, %xor3A_100, %lt3A_102 : vector<16xi32>
      %add3A_104 = arith.constant 16 : i32
      %add3A_105 = vector.broadcast %add3A_104 : i32 to vector<16xi32>
      %add3A_106 = arith.addi %xor3A_100, %add3A_105 : vector<16xi32>
      %select_n3A_107 = arith.select %lt3A_103, %add3A_106, %xor3A_100 : vector<16xi1>, vector<16xi32>
      %broadcast_in_dim3A_108 = vector.shape_cast %select_n3A_107 : vector<16xi32> to vector<16x1xi32>
      %gather3A_109 = vector.shape_cast %broadcast_in_dim3A_108 : vector<16x1xi32> to vector<16xi32>
      %gather3A_110 = tpu.dynamic_gather %min3A_97[%gather3A_109] in [0] : vector<16xi32>, vector<16xi32> -> vector<16xi32>
      %min3A_111 = arith.minsi %min3A_97, %gather3A_110 : vector<16xi32>
      %xor3A_112 = arith.constant 1 : i32
      %xor3A_113 = vector.broadcast %xor3A_112 : i32 to vector<16xi32>
      %xor3A_114 = arith.xori %iota3A_70, %xor3A_113 : vector<16xi32>
      %lt3A_115 = arith.constant 0 : i32
      %lt3A_116 = vector.broadcast %lt3A_115 : i32 to vector<16xi32>
      %lt3A_117 = arith.cmpi slt, %xor3A_114, %lt3A_116 : vector<16xi32>
      %add3A_118 = arith.constant 16 : i32
      %add3A_119 = vector.broadcast %add3A_118 : i32 to vector<16xi32>
      %add3A_120 = arith.addi %xor3A_114, %add3A_119 : vector<16xi32>
      %select_n3A_121 = arith.select %lt3A_117, %add3A_120, %xor3A_114 : vector<16xi1>, vector<16xi32>
      %broadcast_in_dim3A_122 = vector.shape_cast %select_n3A_121 : vector<16xi32> to vector<16x1xi32>
      %gather3A_123 = vector.shape_cast %broadcast_in_dim3A_122 : vector<16x1xi32> to vector<16xi32>
      %gather3A_124 = tpu.dynamic_gather %min3A_111[%gather3A_123] in [0] : vector<16xi32>, vector<16xi32> -> vector<16xi32>
      %min3A_125 = arith.minsi %min3A_111, %gather3A_124 : vector<16xi32>
      %eq3A_126 = arith.cmpi eq, %iota3A, %min3A_125 : vector<16xi32>
      %jit3A_127 = arith.constant -1.000000e+30 : f32
      %broadcast_in_dim3A_128 = vector.broadcast %jit3A_127 : f32 to vector<16xf32>
      %select_n3A_129 = arith.select %eq3A_126, %broadcast_in_dim3A_128, %add3A_15 : vector<16xi1>, vector<16xf32>
      %iota3A_130 = tpu.iota {dimensions = array<i32: 0>} : vector<16xi32>
      %xor3A_131 = arith.constant 8 : i32
      %xor3A_132 = vector.broadcast %xor3A_131 : i32 to vector<16xi32>
      %xor3A_133 = arith.xori %iota3A_130, %xor3A_132 : vector<16xi32>
      %lt3A_134 = arith.constant 0 : i32
      %lt3A_135 = vector.broadcast %lt3A_134 : i32 to vector<16xi32>
      %lt3A_136 = arith.cmpi slt, %xor3A_133, %lt3A_135 : vector<16xi32>
      %add3A_137 = arith.constant 16 : i32
      %add3A_138 = vector.broadcast %add3A_137 : i32 to vector<16xi32>
      %add3A_139 = arith.addi %xor3A_133, %add3A_138 : vector<16xi32>
      %select_n3A_140 = arith.select %lt3A_136, %add3A_139, %xor3A_133 : vector<16xi1>, vector<16xi32>
      %broadcast_in_dim3A_141 = vector.shape_cast %select_n3A_140 : vector<16xi32> to vector<16x1xi32>
      %gather3A_142 = vector.shape_cast %broadcast_in_dim3A_141 : vector<16x1xi32> to vector<16xi32>
      %gather3A_143 = tpu.dynamic_gather %select_n3A_129[%gather3A_142] in [0] : vector<16xf32>, vector<16xi32> -> vector<16xf32>
      %max3A_144 = arith.maximumf %select_n3A_129, %gather3A_143 : vector<16xf32>
      %xor3A_145 = arith.constant 4 : i32
      %xor3A_146 = vector.broadcast %xor3A_145 : i32 to vector<16xi32>
      %xor3A_147 = arith.xori %iota3A_130, %xor3A_146 : vector<16xi32>
      %lt3A_148 = arith.constant 0 : i32
      %lt3A_149 = vector.broadcast %lt3A_148 : i32 to vector<16xi32>
      %lt3A_150 = arith.cmpi slt, %xor3A_147, %lt3A_149 : vector<16xi32>
      %add3A_151 = arith.constant 16 : i32
      %add3A_152 = vector.broadcast %add3A_151 : i32 to vector<16xi32>
      %add3A_153 = arith.addi %xor3A_147, %add3A_152 : vector<16xi32>
      %select_n3A_154 = arith.select %lt3A_150, %add3A_153, %xor3A_147 : vector<16xi1>, vector<16xi32>
      %broadcast_in_dim3A_155 = vector.shape_cast %select_n3A_154 : vector<16xi32> to vector<16x1xi32>
      %gather3A_156 = vector.shape_cast %broadcast_in_dim3A_155 : vector<16x1xi32> to vector<16xi32>
      %gather3A_157 = tpu.dynamic_gather %max3A_144[%gather3A_156] in [0] : vector<16xf32>, vector<16xi32> -> vector<16xf32>
      %max3A_158 = arith.maximumf %max3A_144, %gather3A_157 : vector<16xf32>
      %xor3A_159 = arith.constant 2 : i32
      %xor3A_160 = vector.broadcast %xor3A_159 : i32 to vector<16xi32>
      %xor3A_161 = arith.xori %iota3A_130, %xor3A_160 : vector<16xi32>
      %lt3A_162 = arith.constant 0 : i32
      %lt3A_163 = vector.broadcast %lt3A_162 : i32 to vector<16xi32>
      %lt3A_164 = arith.cmpi slt, %xor3A_161, %lt3A_163 : vector<16xi32>
      %add3A_165 = arith.constant 16 : i32
      %add3A_166 = vector.broadcast %add3A_165 : i32 to vector<16xi32>
      %add3A_167 = arith.addi %xor3A_161, %add3A_166 : vector<16xi32>
      %select_n3A_168 = arith.select %lt3A_164, %add3A_167, %xor3A_161 : vector<16xi1>, vector<16xi32>
      %broadcast_in_dim3A_169 = vector.shape_cast %select_n3A_168 : vector<16xi32> to vector<16x1xi32>
      %gather3A_170 = vector.shape_cast %broadcast_in_dim3A_169 : vector<16x1xi32> to vector<16xi32>
      %gather3A_171 = tpu.dynamic_gather %max3A_158[%gather3A_170] in [0] : vector<16xf32>, vector<16xi32> -> vector<16xf32>
      %max3A_172 = arith.maximumf %max3A_158, %gather3A_171 : vector<16xf32>
      %xor3A_173 = arith.constant 1 : i32
      %xor3A_174 = vector.broadcast %xor3A_173 : i32 to vector<16xi32>
      %xor3A_175 = arith.xori %iota3A_130, %xor3A_174 : vector<16xi32>
      %lt3A_176 = arith.constant 0 : i32
      %lt3A_177 = vector.broadcast %lt3A_176 : i32 to vector<16xi32>
      %lt3A_178 = arith.cmpi slt, %xor3A_175, %lt3A_177 : vector<16xi32>
      %add3A_179 = arith.constant 16 : i32
      %add3A_180 = vector.broadcast %add3A_179 : i32 to vector<16xi32>
      %add3A_181 = arith.addi %xor3A_175, %add3A_180 : vector<16xi32>
      %select_n3A_182 = arith.select %lt3A_178, %add3A_181, %xor3A_175 : vector<16xi1>, vector<16xi32>
      %broadcast_in_dim3A_183 = vector.shape_cast %select_n3A_182 : vector<16xi32> to vector<16x1xi32>
      %gather3A_184 = vector.shape_cast %broadcast_in_dim3A_183 : vector<16x1xi32> to vector<16xi32>
      %gather3A_185 = tpu.dynamic_gather %max3A_172[%gather3A_184] in [0] : vector<16xf32>, vector<16xi32> -> vector<16xf32>
      %max3A_186 = arith.maximumf %max3A_172, %gather3A_185 : vector<16xf32>
      %eq3A_187 = arith.cmpf oeq, %select_n3A_129, %max3A_186 : vector<16xf32>
      %jit3A_188 = arith.constant 16 : i32
      %broadcast_in_dim3A_189 = vector.broadcast %jit3A_188 : i32 to vector<16xi32>
      %select_n3A_190 = arith.select %eq3A_187, %iota3A, %broadcast_in_dim3A_189 : vector<16xi1>, vector<16xi32>
      %iota3A_191 = tpu.iota {dimensions = array<i32: 0>} : vector<16xi32>
      %xor3A_192 = arith.constant 8 : i32
      %xor3A_193 = vector.broadcast %xor3A_192 : i32 to vector<16xi32>
      %xor3A_194 = arith.xori %iota3A_191, %xor3A_193 : vector<16xi32>
      %lt3A_195 = arith.constant 0 : i32
      %lt3A_196 = vector.broadcast %lt3A_195 : i32 to vector<16xi32>
      %lt3A_197 = arith.cmpi slt, %xor3A_194, %lt3A_196 : vector<16xi32>
      %add3A_198 = arith.constant 16 : i32
      %add3A_199 = vector.broadcast %add3A_198 : i32 to vector<16xi32>
      %add3A_200 = arith.addi %xor3A_194, %add3A_199 : vector<16xi32>
      %select_n3A_201 = arith.select %lt3A_197, %add3A_200, %xor3A_194 : vector<16xi1>, vector<16xi32>
      %broadcast_in_dim3A_202 = vector.shape_cast %select_n3A_201 : vector<16xi32> to vector<16x1xi32>
      %gather3A_203 = vector.shape_cast %broadcast_in_dim3A_202 : vector<16x1xi32> to vector<16xi32>
      %gather3A_204 = tpu.dynamic_gather %select_n3A_190[%gather3A_203] in [0] : vector<16xi32>, vector<16xi32> -> vector<16xi32>
      %min3A_205 = arith.minsi %select_n3A_190, %gather3A_204 : vector<16xi32>
      %xor3A_206 = arith.constant 4 : i32
      %xor3A_207 = vector.broadcast %xor3A_206 : i32 to vector<16xi32>
      %xor3A_208 = arith.xori %iota3A_191, %xor3A_207 : vector<16xi32>
      %lt3A_209 = arith.constant 0 : i32
      %lt3A_210 = vector.broadcast %lt3A_209 : i32 to vector<16xi32>
      %lt3A_211 = arith.cmpi slt, %xor3A_208, %lt3A_210 : vector<16xi32>
      %add3A_212 = arith.constant 16 : i32
      %add3A_213 = vector.broadcast %add3A_212 : i32 to vector<16xi32>
      %add3A_214 = arith.addi %xor3A_208, %add3A_213 : vector<16xi32>
      %select_n3A_215 = arith.select %lt3A_211, %add3A_214, %xor3A_208 : vector<16xi1>, vector<16xi32>
      %broadcast_in_dim3A_216 = vector.shape_cast %select_n3A_215 : vector<16xi32> to vector<16x1xi32>
      %gather3A_217 = vector.shape_cast %broadcast_in_dim3A_216 : vector<16x1xi32> to vector<16xi32>
      %gather3A_218 = tpu.dynamic_gather %min3A_205[%gather3A_217] in [0] : vector<16xi32>, vector<16xi32> -> vector<16xi32>
      %min3A_219 = arith.minsi %min3A_205, %gather3A_218 : vector<16xi32>
      %xor3A_220 = arith.constant 2 : i32
      %xor3A_221 = vector.broadcast %xor3A_220 : i32 to vector<16xi32>
      %xor3A_222 = arith.xori %iota3A_191, %xor3A_221 : vector<16xi32>
      %lt3A_223 = arith.constant 0 : i32
      %lt3A_224 = vector.broadcast %lt3A_223 : i32 to vector<16xi32>
      %lt3A_225 = arith.cmpi slt, %xor3A_222, %lt3A_224 : vector<16xi32>
      %add3A_226 = arith.constant 16 : i32
      %add3A_227 = vector.broadcast %add3A_226 : i32 to vector<16xi32>
      %add3A_228 = arith.addi %xor3A_222, %add3A_227 : vector<16xi32>
      %select_n3A_229 = arith.select %lt3A_225, %add3A_228, %xor3A_222 : vector<16xi1>, vector<16xi32>
      %broadcast_in_dim3A_230 = vector.shape_cast %select_n3A_229 : vector<16xi32> to vector<16x1xi32>
      %gather3A_231 = vector.shape_cast %broadcast_in_dim3A_230 : vector<16x1xi32> to vector<16xi32>
      %gather3A_232 = tpu.dynamic_gather %min3A_219[%gather3A_231] in [0] : vector<16xi32>, vector<16xi32> -> vector<16xi32>
      %min3A_233 = arith.minsi %min3A_219, %gather3A_232 : vector<16xi32>
      %xor3A_234 = arith.constant 1 : i32
      %xor3A_235 = vector.broadcast %xor3A_234 : i32 to vector<16xi32>
      %xor3A_236 = arith.xori %iota3A_191, %xor3A_235 : vector<16xi32>
      %lt3A_237 = arith.constant 0 : i32
      %lt3A_238 = vector.broadcast %lt3A_237 : i32 to vector<16xi32>
      %lt3A_239 = arith.cmpi slt, %xor3A_236, %lt3A_238 : vector<16xi32>
      %add3A_240 = arith.constant 16 : i32
      %add3A_241 = vector.broadcast %add3A_240 : i32 to vector<16xi32>
      %add3A_242 = arith.addi %xor3A_236, %add3A_241 : vector<16xi32>
      %select_n3A_243 = arith.select %lt3A_239, %add3A_242, %xor3A_236 : vector<16xi1>, vector<16xi32>
      %broadcast_in_dim3A_244 = vector.shape_cast %select_n3A_243 : vector<16xi32> to vector<16x1xi32>
      %gather3A_245 = vector.shape_cast %broadcast_in_dim3A_244 : vector<16x1xi32> to vector<16xi32>
      %gather3A_246 = tpu.dynamic_gather %min3A_233[%gather3A_245] in [0] : vector<16xi32>, vector<16xi32> -> vector<16xi32>
      %min3A_247 = arith.minsi %min3A_233, %gather3A_246 : vector<16xi32>
      %sub3A = arith.subf %max3A_186, %max3A_66 : vector<16xf32>
      %exp3A = math.exp %sub3A : vector<16xf32>
      %eq3A_248 = arith.cmpi eq, %iota3A, %min3A_125 : vector<16xi32>
      %add3A_249 = arith.constant 1.000000e+00 : f32
      %add3A_250 = vector.broadcast %add3A_249 : f32 to vector<16xf32>
      %add3A_251 = arith.addf %add3A_250, %exp3A : vector<16xf32>
      %div3A = arith.constant 1.000000e+00 : f32
      %div3A_252 = vector.broadcast %div3A : f32 to vector<16xf32>
      %div3A_253 = arith.divf %div3A_252, %add3A_251 : vector<16xf32>
      %jit3A_254 = arith.constant 0.000000e+00 : f32
      %broadcast_in_dim3A_255 = vector.broadcast %jit3A_254 : f32 to vector<16xf32>
      %select_n3A_256 = arith.select %eq3A_248, %div3A_253, %broadcast_in_dim3A_255 : vector<16xi1>, vector<16xf32>
      %eq3A_257 = arith.cmpi eq, %iota3A, %min3A_247 : vector<16xi32>
      %mul3A_258 = arith.constant 1.000000e+00 : f32
      %mul3A_259 = vector.broadcast %mul3A_258 : f32 to vector<16xf32>
      %mul3A_260 = arith.mulf %mul3A_259, %exp3A : vector<16xf32>
      %add3A_261 = arith.constant 1.000000e+00 : f32
      %add3A_262 = vector.broadcast %add3A_261 : f32 to vector<16xf32>
      %add3A_263 = arith.addf %add3A_262, %exp3A : vector<16xf32>
      %div3A_264 = arith.divf %mul3A_260, %add3A_263 : vector<16xf32>
      %jit3A_265 = arith.constant 0.000000e+00 : f32
      %broadcast_in_dim3A_266 = vector.broadcast %jit3A_265 : f32 to vector<16xf32>
      %select_n3A_267 = arith.select %eq3A_257, %div3A_264, %broadcast_in_dim3A_266 : vector<16xi1>, vector<16xf32>
      %add3A_268 = arith.addf %select_n3A_256, %select_n3A_267 : vector<16xf32>
      %swap3A = arith.constant 0 : i32
      %swap3A_269 = arith.index_cast %swap3A : i32 to index
      %swap3A_270 = arith.constant 0 : index
      %swap3A_271 = tpu.vector_load %arg7[%swap3A_269, %swap3A_270] {strides = array<i32>} : memref<4x16xf32, #tpu.memory_space<vmem>>, vector<1x16xf32>,
      %swap3A_272 = vector.shape_cast %swap3A_271 : vector<1x16xf32> to vector<16xf32>
      %swap3A_273 = vector.shape_cast %add3A_268 : vector<16xf32> to vector<1x16xf32>
      tpu.vector_store %arg7[%swap3A_269, %swap3A_270], %swap3A_273 {strides = array<i32>} : memref<4x16xf32, #tpu.memory_space<vmem>>, vector<1x16xf32>,
      %get3A_274 = arith.constant 1 : i32
      %get3A_275 = arith.index_cast %get3A_274 : i32 to index
      %get3A_276 = arith.constant 0 : index
      %get3A_277 = tpu.vector_load %arg5[%get3A_275, %get3A_276] {strides = array<i32>} : memref<4x16xf32, #tpu.memory_space<vmem>>, vector<1x16xf32>,
      %get3A_278 = vector.shape_cast %get3A_277 : vector<1x16xf32> to vector<16xf32>
      %mul3A_279 = arith.constant 4.8828125E-4 : f32
      %mul3A_280 = vector.broadcast %mul3A_279 : f32 to vector<16xf32>
      %mul3A_281 = arith.mulf %get3A_278, %mul3A_280 : vector<16xf32>
      %get3A_282 = arith.constant 1 : i32
      %get3A_283 = arith.index_cast %get3A_282 : i32 to index
      %get3A_284 = arith.constant 0 : index
      %get3A_285 = tpu.vector_load %arg6[%get3A_283, %get3A_284] {strides = array<i32>} : memref<4x16xf32, #tpu.memory_space<vmem>>, vector<1x16xf32>,
      %get3A_286 = vector.shape_cast %get3A_285 : vector<1x16xf32> to vector<16xf32>
      %add3A_287 = arith.addf %mul3A_281, %get3A_286 : vector<16xf32>
      %iota3A_288 = tpu.iota {dimensions = array<i32: 0>} : vector<16xi32>
      %xor3A_289 = arith.constant 8 : i32
      %xor3A_290 = vector.broadcast %xor3A_289 : i32 to vector<16xi32>
      %xor3A_291 = arith.xori %iota3A_288, %xor3A_290 : vector<16xi32>
      %lt3A_292 = arith.constant 0 : i32
      %lt3A_293 = vector.broadcast %lt3A_292 : i32 to vector<16xi32>
      %lt3A_294 = arith.cmpi slt, %xor3A_291, %lt3A_293 : vector<16xi32>
      %add3A_295 = arith.constant 16 : i32
      %add3A_296 = vector.broadcast %add3A_295 : i32 to vector<16xi32>
      %add3A_297 = arith.addi %xor3A_291, %add3A_296 : vector<16xi32>
      %select_n3A_298 = arith.select %lt3A_294, %add3A_297, %xor3A_291 : vector<16xi1>, vector<16xi32>
      %broadcast_in_dim3A_299 = vector.shape_cast %select_n3A_298 : vector<16xi32> to vector<16x1xi32>
      %gather3A_300 = vector.shape_cast %broadcast_in_dim3A_299 : vector<16x1xi32> to vector<16xi32>
      %gather3A_301 = tpu.dynamic_gather %add3A_287[%gather3A_300] in [0] : vector<16xf32>, vector<16xi32> -> vector<16xf32>
      %max3A_302 = arith.maximumf %add3A_287, %gather3A_301 : vector<16xf32>
      %xor3A_303 = arith.constant 4 : i32
      %xor3A_304 = vector.broadcast %xor3A_303 : i32 to vector<16xi32>
      %xor3A_305 = arith.xori %iota3A_288, %xor3A_304 : vector<16xi32>
      %lt3A_306 = arith.constant 0 : i32
      %lt3A_307 = vector.broadcast %lt3A_306 : i32 to vector<16xi32>
      %lt3A_308 = arith.cmpi slt, %xor3A_305, %lt3A_307 : vector<16xi32>
      %add3A_309 = arith.constant 16 : i32
      %add3A_310 = vector.broadcast %add3A_309 : i32 to vector<16xi32>
      %add3A_311 = arith.addi %xor3A_305, %add3A_310 : vector<16xi32>
      %select_n3A_312 = arith.select %lt3A_308, %add3A_311, %xor3A_305 : vector<16xi1>, vector<16xi32>
      %broadcast_in_dim3A_313 = vector.shape_cast %select_n3A_312 : vector<16xi32> to vector<16x1xi32>
      %gather3A_314 = vector.shape_cast %broadcast_in_dim3A_313 : vector<16x1xi32> to vector<16xi32>
      %gather3A_315 = tpu.dynamic_gather %max3A_302[%gather3A_314] in [0] : vector<16xf32>, vector<16xi32> -> vector<16xf32>
      %max3A_316 = arith.maximumf %max3A_302, %gather3A_315 : vector<16xf32>
      %xor3A_317 = arith.constant 2 : i32
      %xor3A_318 = vector.broadcast %xor3A_317 : i32 to vector<16xi32>
      %xor3A_319 = arith.xori %iota3A_288, %xor3A_318 : vector<16xi32>
      %lt3A_320 = arith.constant 0 : i32
      %lt3A_321 = vector.broadcast %lt3A_320 : i32 to vector<16xi32>
      %lt3A_322 = arith.cmpi slt, %xor3A_319, %lt3A_321 : vector<16xi32>
      %add3A_323 = arith.constant 16 : i32
      %add3A_324 = vector.broadcast %add3A_323 : i32 to vector<16xi32>
      %add3A_325 = arith.addi %xor3A_319, %add3A_324 : vector<16xi32>
      %select_n3A_326 = arith.select %lt3A_322, %add3A_325, %xor3A_319 : vector<16xi1>, vector<16xi32>
      %broadcast_in_dim3A_327 = vector.shape_cast %select_n3A_326 : vector<16xi32> to vector<16x1xi32>
      %gather3A_328 = vector.shape_cast %broadcast_in_dim3A_327 : vector<16x1xi32> to vector<16xi32>
      %gather3A_329 = tpu.dynamic_gather %max3A_316[%gather3A_328] in [0] : vector<16xf32>, vector<16xi32> -> vector<16xf32>
      %max3A_330 = arith.maximumf %max3A_316, %gather3A_329 : vector<16xf32>
      %xor3A_331 = arith.constant 1 : i32
      %xor3A_332 = vector.broadcast %xor3A_331 : i32 to vector<16xi32>
      %xor3A_333 = arith.xori %iota3A_288, %xor3A_332 : vector<16xi32>
      %lt3A_334 = arith.constant 0 : i32
      %lt3A_335 = vector.broadcast %lt3A_334 : i32 to vector<16xi32>
      %lt3A_336 = arith.cmpi slt, %xor3A_333, %lt3A_335 : vector<16xi32>
      %add3A_337 = arith.constant 16 : i32
      %add3A_338 = vector.broadcast %add3A_337 : i32 to vector<16xi32>
      %add3A_339 = arith.addi %xor3A_333, %add3A_338 : vector<16xi32>
      %select_n3A_340 = arith.select %lt3A_336, %add3A_339, %xor3A_333 : vector<16xi1>, vector<16xi32>
      %broadcast_in_dim3A_341 = vector.shape_cast %select_n3A_340 : vector<16xi32> to vector<16x1xi32>
      %gather3A_342 = vector.shape_cast %broadcast_in_dim3A_341 : vector<16x1xi32> to vector<16xi32>
      %gather3A_343 = tpu.dynamic_gather %max3A_330[%gather3A_342] in [0] : vector<16xf32>, vector<16xi32> -> vector<16xf32>
      %max3A_344 = arith.maximumf %max3A_330, %gather3A_343 : vector<16xf32>
      %eq3A_345 = arith.cmpf oeq, %add3A_287, %max3A_344 : vector<16xf32>
      %jit3A_346 = arith.constant 16 : i32
      %broadcast_in_dim3A_347 = vector.broadcast %jit3A_346 : i32 to vector<16xi32>
      %select_n3A_348 = arith.select %eq3A_345, %iota3A, %broadcast_in_dim3A_347 : vector<16xi1>, vector<16xi32>
      %iota3A_349 = tpu.iota {dimensions = array<i32: 0>} : vector<16xi32>
      %xor3A_350 = arith.constant 8 : i32
      %xor3A_351 = vector.broadcast %xor3A_350 : i32 to vector<16xi32>
      %xor3A_352 = arith.xori %iota3A_349, %xor3A_351 : vector<16xi32>
      %lt3A_353 = arith.constant 0 : i32
      %lt3A_354 = vector.broadcast %lt3A_353 : i32 to vector<16xi32>
      %lt3A_355 = arith.cmpi slt, %xor3A_352, %lt3A_354 : vector<16xi32>
      %add3A_356 = arith.constant 16 : i32
      %add3A_357 = vector.broadcast %add3A_356 : i32 to vector<16xi32>
      %add3A_358 = arith.addi %xor3A_352, %add3A_357 : vector<16xi32>
      %select_n3A_359 = arith.select %lt3A_355, %add3A_358, %xor3A_352 : vector<16xi1>, vector<16xi32>
      %broadcast_in_dim3A_360 = vector.shape_cast %select_n3A_359 : vector<16xi32> to vector<16x1xi32>
      %gather3A_361 = vector.shape_cast %broadcast_in_dim3A_360 : vector<16x1xi32> to vector<16xi32>
      %gather3A_362 = tpu.dynamic_gather %select_n3A_348[%gather3A_361] in [0] : vector<16xi32>, vector<16xi32> -> vector<16xi32>
      %min3A_363 = arith.minsi %select_n3A_348, %gather3A_362 : vector<16xi32>
      %xor3A_364 = arith.constant 4 : i32
      %xor3A_365 = vector.broadcast %xor3A_364 : i32 to vector<16xi32>
      %xor3A_366 = arith.xori %iota3A_349, %xor3A_365 : vector<16xi32>
      %lt3A_367 = arith.constant 0 : i32
      %lt3A_368 = vector.broadcast %lt3A_367 : i32 to vector<16xi32>
      %lt3A_369 = arith.cmpi slt, %xor3A_366, %lt3A_368 : vector<16xi32>
      %add3A_370 = arith.constant 16 : i32
      %add3A_371 = vector.broadcast %add3A_370 : i32 to vector<16xi32>
      %add3A_372 = arith.addi %xor3A_366, %add3A_371 : vector<16xi32>
      %select_n3A_373 = arith.select %lt3A_369, %add3A_372, %xor3A_366 : vector<16xi1>, vector<16xi32>
      %broadcast_in_dim3A_374 = vector.shape_cast %select_n3A_373 : vector<16xi32> to vector<16x1xi32>
      %gather3A_375 = vector.shape_cast %broadcast_in_dim3A_374 : vector<16x1xi32> to vector<16xi32>
      %gather3A_376 = tpu.dynamic_gather %min3A_363[%gather3A_375] in [0] : vector<16xi32>, vector<16xi32> -> vector<16xi32>
      %min3A_377 = arith.minsi %min3A_363, %gather3A_376 : vector<16xi32>
      %xor3A_378 = arith.constant 2 : i32
      %xor3A_379 = vector.broadcast %xor3A_378 : i32 to vector<16xi32>
      %xor3A_380 = arith.xori %iota3A_349, %xor3A_379 : vector<16xi32>
      %lt3A_381 = arith.constant 0 : i32
      %lt3A_382 = vector.broadcast %lt3A_381 : i32 to vector<16xi32>
      %lt3A_383 = arith.cmpi slt, %xor3A_380, %lt3A_382 : vector<16xi32>
      %add3A_384 = arith.constant 16 : i32
      %add3A_385 = vector.broadcast %add3A_384 : i32 to vector<16xi32>
      %add3A_386 = arith.addi %xor3A_380, %add3A_385 : vector<16xi32>
      %select_n3A_387 = arith.select %lt3A_383, %add3A_386, %xor3A_380 : vector<16xi1>, vector<16xi32>
      %broadcast_in_dim3A_388 = vector.shape_cast %select_n3A_387 : vector<16xi32> to vector<16x1xi32>
      %gather3A_389 = vector.shape_cast %broadcast_in_dim3A_388 : vector<16x1xi32> to vector<16xi32>
      %gather3A_390 = tpu.dynamic_gather %min3A_377[%gather3A_389] in [0] : vector<16xi32>, vector<16xi32> -> vector<16xi32>
      %min3A_391 = arith.minsi %min3A_377, %gather3A_390 : vector<16xi32>
      %xor3A_392 = arith.constant 1 : i32
      %xor3A_393 = vector.broadcast %xor3A_392 : i32 to vector<16xi32>
      %xor3A_394 = arith.xori %iota3A_349, %xor3A_393 : vector<16xi32>
      %lt3A_395 = arith.constant 0 : i32
      %lt3A_396 = vector.broadcast %lt3A_395 : i32 to vector<16xi32>
      %lt3A_397 = arith.cmpi slt, %xor3A_394, %lt3A_396 : vector<16xi32>
      %add3A_398 = arith.constant 16 : i32
      %add3A_399 = vector.broadcast %add3A_398 : i32 to vector<16xi32>
      %add3A_400 = arith.addi %xor3A_394, %add3A_399 : vector<16xi32>
      %select_n3A_401 = arith.select %lt3A_397, %add3A_400, %xor3A_394 : vector<16xi1>, vector<16xi32>
      %broadcast_in_dim3A_402 = vector.shape_cast %select_n3A_401 : vector<16xi32> to vector<16x1xi32>
      %gather3A_403 = vector.shape_cast %broadcast_in_dim3A_402 : vector<16x1xi32> to vector<16xi32>
      %gather3A_404 = tpu.dynamic_gather %min3A_391[%gather3A_403] in [0] : vector<16xi32>, vector<16xi32> -> vector<16xi32>
      %min3A_405 = arith.minsi %min3A_391, %gather3A_404 : vector<16xi32>
      %eq3A_406 = arith.cmpi eq, %iota3A, %min3A_405 : vector<16xi32>
      %jit3A_407 = arith.constant -1.000000e+30 : f32
      %broadcast_in_dim3A_408 = vector.broadcast %jit3A_407 : f32 to vector<16xf32>
      %select_n3A_409 = arith.select %eq3A_406, %broadcast_in_dim3A_408, %add3A_287 : vector<16xi1>, vector<16xf32>
      %iota3A_410 = tpu.iota {dimensions = array<i32: 0>} : vector<16xi32>
      %xor3A_411 = arith.constant 8 : i32
      %xor3A_412 = vector.broadcast %xor3A_411 : i32 to vector<16xi32>
      %xor3A_413 = arith.xori %iota3A_410, %xor3A_412 : vector<16xi32>
      %lt3A_414 = arith.constant 0 : i32
      %lt3A_415 = vector.broadcast %lt3A_414 : i32 to vector<16xi32>
      %lt3A_416 = arith.cmpi slt, %xor3A_413, %lt3A_415 : vector<16xi32>
      %add3A_417 = arith.constant 16 : i32
      %add3A_418 = vector.broadcast %add3A_417 : i32 to vector<16xi32>
      %add3A_419 = arith.addi %xor3A_413, %add3A_418 : vector<16xi32>
      %select_n3A_420 = arith.select %lt3A_416, %add3A_419, %xor3A_413 : vector<16xi1>, vector<16xi32>
      %broadcast_in_dim3A_421 = vector.shape_cast %select_n3A_420 : vector<16xi32> to vector<16x1xi32>
      %gather3A_422 = vector.shape_cast %broadcast_in_dim3A_421 : vector<16x1xi32> to vector<16xi32>
      %gather3A_423 = tpu.dynamic_gather %select_n3A_409[%gather3A_422] in [0] : vector<16xf32>, vector<16xi32> -> vector<16xf32>
      %max3A_424 = arith.maximumf %select_n3A_409, %gather3A_423 : vector<16xf32>
      %xor3A_425 = arith.constant 4 : i32
      %xor3A_426 = vector.broadcast %xor3A_425 : i32 to vector<16xi32>
      %xor3A_427 = arith.xori %iota3A_410, %xor3A_426 : vector<16xi32>
      %lt3A_428 = arith.constant 0 : i32
      %lt3A_429 = vector.broadcast %lt3A_428 : i32 to vector<16xi32>
      %lt3A_430 = arith.cmpi slt, %xor3A_427, %lt3A_429 : vector<16xi32>
      %add3A_431 = arith.constant 16 : i32
      %add3A_432 = vector.broadcast %add3A_431 : i32 to vector<16xi32>
      %add3A_433 = arith.addi %xor3A_427, %add3A_432 : vector<16xi32>
      %select_n3A_434 = arith.select %lt3A_430, %add3A_433, %xor3A_427 : vector<16xi1>, vector<16xi32>
      %broadcast_in_dim3A_435 = vector.shape_cast %select_n3A_434 : vector<16xi32> to vector<16x1xi32>
      %gather3A_436 = vector.shape_cast %broadcast_in_dim3A_435 : vector<16x1xi32> to vector<16xi32>
      %gather3A_437 = tpu.dynamic_gather %max3A_424[%gather3A_436] in [0] : vector<16xf32>, vector<16xi32> -> vector<16xf32>
      %max3A_438 = arith.maximumf %max3A_424, %gather3A_437 : vector<16xf32>
      %xor3A_439 = arith.constant 2 : i32
      %xor3A_440 = vector.broadcast %xor3A_439 : i32 to vector<16xi32>
      %xor3A_441 = arith.xori %iota3A_410, %xor3A_440 : vector<16xi32>
      %lt3A_442 = arith.constant 0 : i32
      %lt3A_443 = vector.broadcast %lt3A_442 : i32 to vector<16xi32>
      %lt3A_444 = arith.cmpi slt, %xor3A_441, %lt3A_443 : vector<16xi32>
      %add3A_445 = arith.constant 16 : i32
      %add3A_446 = vector.broadcast %add3A_445 : i32 to vector<16xi32>
      %add3A_447 = arith.addi %xor3A_441, %add3A_446 : vector<16xi32>
      %select_n3A_448 = arith.select %lt3A_444, %add3A_447, %xor3A_441 : vector<16xi1>, vector<16xi32>
      %broadcast_in_dim3A_449 = vector.shape_cast %select_n3A_448 : vector<16xi32> to vector<16x1xi32>
      %gather3A_450 = vector.shape_cast %broadcast_in_dim3A_449 : vector<16x1xi32> to vector<16xi32>
      %gather3A_451 = tpu.dynamic_gather %max3A_438[%gather3A_450] in [0] : vector<16xf32>, vector<16xi32> -> vector<16xf32>
      %max3A_452 = arith.maximumf %max3A_438, %gather3A_451 : vector<16xf32>
      %xor3A_453 = arith.constant 1 : i32
      %xor3A_454 = vector.broadcast %xor3A_453 : i32 to vector<16xi32>
      %xor3A_455 = arith.xori %iota3A_410, %xor3A_454 : vector<16xi32>
      %lt3A_456 = arith.constant 0 : i32
      %lt3A_457 = vector.broadcast %lt3A_456 : i32 to vector<16xi32>
      %lt3A_458 = arith.cmpi slt, %xor3A_455, %lt3A_457 : vector<16xi32>
      %add3A_459 = arith.constant 16 : i32
      %add3A_460 = vector.broadcast %add3A_459 : i32 to vector<16xi32>
      %add3A_461 = arith.addi %xor3A_455, %add3A_460 : vector<16xi32>
      %select_n3A_462 = arith.select %lt3A_458, %add3A_461, %xor3A_455 : vector<16xi1>, vector<16xi32>
      %broadcast_in_dim3A_463 = vector.shape_cast %select_n3A_462 : vector<16xi32> to vector<16x1xi32>
      %gather3A_464 = vector.shape_cast %broadcast_in_dim3A_463 : vector<16x1xi32> to vector<16xi32>
      %gather3A_465 = tpu.dynamic_gather %max3A_452[%gather3A_464] in [0] : vector<16xf32>, vector<16xi32> -> vector<16xf32>
      %max3A_466 = arith.maximumf %max3A_452, %gather3A_465 : vector<16xf32>
      %eq3A_467 = arith.cmpf oeq, %select_n3A_409, %max3A_466 : vector<16xf32>
      %jit3A_468 = arith.constant 16 : i32
      %broadcast_in_dim3A_469 = vector.broadcast %jit3A_468 : i32 to vector<16xi32>
      %select_n3A_470 = arith.select %eq3A_467, %iota3A, %broadcast_in_dim3A_469 : vector<16xi1>, vector<16xi32>
      %iota3A_471 = tpu.iota {dimensions = array<i32: 0>} : vector<16xi32>
      %xor3A_472 = arith.constant 8 : i32
      %xor3A_473 = vector.broadcast %xor3A_472 : i32 to vector<16xi32>
      %xor3A_474 = arith.xori %iota3A_471, %xor3A_473 : vector<16xi32>
      %lt3A_475 = arith.constant 0 : i32
      %lt3A_476 = vector.broadcast %lt3A_475 : i32 to vector<16xi32>
      %lt3A_477 = arith.cmpi slt, %xor3A_474, %lt3A_476 : vector<16xi32>
      %add3A_478 = arith.constant 16 : i32
      %add3A_479 = vector.broadcast %add3A_478 : i32 to vector<16xi32>
      %add3A_480 = arith.addi %xor3A_474, %add3A_479 : vector<16xi32>
      %select_n3A_481 = arith.select %lt3A_477, %add3A_480, %xor3A_474 : vector<16xi1>, vector<16xi32>
      %broadcast_in_dim3A_482 = vector.shape_cast %select_n3A_481 : vector<16xi32> to vector<16x1xi32>
      %gather3A_483 = vector.shape_cast %broadcast_in_dim3A_482 : vector<16x1xi32> to vector<16xi32>
      %gather3A_484 = tpu.dynamic_gather %select_n3A_470[%gather3A_483] in [0] : vector<16xi32>, vector<16xi32> -> vector<16xi32>
      %min3A_485 = arith.minsi %select_n3A_470, %gather3A_484 : vector<16xi32>
      %xor3A_486 = arith.constant 4 : i32
      %xor3A_487 = vector.broadcast %xor3A_486 : i32 to vector<16xi32>
      %xor3A_488 = arith.xori %iota3A_471, %xor3A_487 : vector<16xi32>
      %lt3A_489 = arith.constant 0 : i32
      %lt3A_490 = vector.broadcast %lt3A_489 : i32 to vector<16xi32>
      %lt3A_491 = arith.cmpi slt, %xor3A_488, %lt3A_490 : vector<16xi32>
      %add3A_492 = arith.constant 16 : i32
      %add3A_493 = vector.broadcast %add3A_492 : i32 to vector<16xi32>
      %add3A_494 = arith.addi %xor3A_488, %add3A_493 : vector<16xi32>
      %select_n3A_495 = arith.select %lt3A_491, %add3A_494, %xor3A_488 : vector<16xi1>, vector<16xi32>
      %broadcast_in_dim3A_496 = vector.shape_cast %select_n3A_495 : vector<16xi32> to vector<16x1xi32>
      %gather3A_497 = vector.shape_cast %broadcast_in_dim3A_496 : vector<16x1xi32> to vector<16xi32>
      %gather3A_498 = tpu.dynamic_gather %min3A_485[%gather3A_497] in [0] : vector<16xi32>, vector<16xi32> -> vector<16xi32>
      %min3A_499 = arith.minsi %min3A_485, %gather3A_498 : vector<16xi32>
      %xor3A_500 = arith.constant 2 : i32
      %xor3A_501 = vector.broadcast %xor3A_500 : i32 to vector<16xi32>
      %xor3A_502 = arith.xori %iota3A_471, %xor3A_501 : vector<16xi32>
      %lt3A_503 = arith.constant 0 : i32
      %lt3A_504 = vector.broadcast %lt3A_503 : i32 to vector<16xi32>
      %lt3A_505 = arith.cmpi slt, %xor3A_502, %lt3A_504 : vector<16xi32>
      %add3A_506 = arith.constant 16 : i32
      %add3A_507 = vector.broadcast %add3A_506 : i32 to vector<16xi32>
      %add3A_508 = arith.addi %xor3A_502, %add3A_507 : vector<16xi32>
      %select_n3A_509 = arith.select %lt3A_505, %add3A_508, %xor3A_502 : vector<16xi1>, vector<16xi32>
      %broadcast_in_dim3A_510 = vector.shape_cast %select_n3A_509 : vector<16xi32> to vector<16x1xi32>
      %gather3A_511 = vector.shape_cast %broadcast_in_dim3A_510 : vector<16x1xi32> to vector<16xi32>
      %gather3A_512 = tpu.dynamic_gather %min3A_499[%gather3A_511] in [0] : vector<16xi32>, vector<16xi32> -> vector<16xi32>
      %min3A_513 = arith.minsi %min3A_499, %gather3A_512 : vector<16xi32>
      %xor3A_514 = arith.constant 1 : i32
      %xor3A_515 = vector.broadcast %xor3A_514 : i32 to vector<16xi32>
      %xor3A_516 = arith.xori %iota3A_471, %xor3A_515 : vector<16xi32>
      %lt3A_517 = arith.constant 0 : i32
      %lt3A_518 = vector.broadcast %lt3A_517 : i32 to vector<16xi32>
      %lt3A_519 = arith.cmpi slt, %xor3A_516, %lt3A_518 : vector<16xi32>
      %add3A_520 = arith.constant 16 : i32
      %add3A_521 = vector.broadcast %add3A_520 : i32 to vector<16xi32>
      %add3A_522 = arith.addi %xor3A_516, %add3A_521 : vector<16xi32>
      %select_n3A_523 = arith.select %lt3A_519, %add3A_522, %xor3A_516 : vector<16xi1>, vector<16xi32>
      %broadcast_in_dim3A_524 = vector.shape_cast %select_n3A_523 : vector<16xi32> to vector<16x1xi32>
      %gather3A_525 = vector.shape_cast %broadcast_in_dim3A_524 : vector<16x1xi32> to vector<16xi32>
      %gather3A_526 = tpu.dynamic_gather %min3A_513[%gather3A_525] in [0] : vector<16xi32>, vector<16xi32> -> vector<16xi32>
      %min3A_527 = arith.minsi %min3A_513, %gather3A_526 : vector<16xi32>
      %sub3A_528 = arith.subf %max3A_466, %max3A_344 : vector<16xf32>
      %exp3A_529 = math.exp %sub3A_528 : vector<16xf32>
      %eq3A_530 = arith.cmpi eq, %iota3A, %min3A_405 : vector<16xi32>
      %add3A_531 = arith.constant 1.000000e+00 : f32
      %add3A_532 = vector.broadcast %add3A_531 : f32 to vector<16xf32>
      %add3A_533 = arith.addf %add3A_532, %exp3A_529 : vector<16xf32>
      %div3A_534 = arith.constant 1.000000e+00 : f32
      %div3A_535 = vector.broadcast %div3A_534 : f32 to vector<16xf32>
      %div3A_536 = arith.divf %div3A_535, %add3A_533 : vector<16xf32>
      %jit3A_537 = arith.constant 0.000000e+00 : f32
      %broadcast_in_dim3A_538 = vector.broadcast %jit3A_537 : f32 to vector<16xf32>
      %select_n3A_539 = arith.select %eq3A_530, %div3A_536, %broadcast_in_dim3A_538 : vector<16xi1>, vector<16xf32>
      %eq3A_540 = arith.cmpi eq, %iota3A, %min3A_527 : vector<16xi32>
      %mul3A_541 = arith.constant 1.000000e+00 : f32
      %mul3A_542 = vector.broadcast %mul3A_541 : f32 to vector<16xf32>
      %mul3A_543 = arith.mulf %mul3A_542, %exp3A_529 : vector<16xf32>
      %add3A_544 = arith.constant 1.000000e+00 : f32
      %add3A_545 = vector.broadcast %add3A_544 : f32 to vector<16xf32>
      %add3A_546 = arith.addf %add3A_545, %exp3A_529 : vector<16xf32>
      %div3A_547 = arith.divf %mul3A_543, %add3A_546 : vector<16xf32>
      %jit3A_548 = arith.constant 0.000000e+00 : f32
      %broadcast_in_dim3A_549 = vector.broadcast %jit3A_548 : f32 to vector<16xf32>
      %select_n3A_550 = arith.select %eq3A_540, %div3A_547, %broadcast_in_dim3A_549 : vector<16xi1>, vector<16xf32>
      %add3A_551 = arith.addf %select_n3A_539, %select_n3A_550 : vector<16xf32>
      %swap3A_552 = arith.constant 1 : i32
      %swap3A_553 = arith.index_cast %swap3A_552 : i32 to index
      %swap3A_554 = arith.constant 0 : index
      %swap3A_555 = tpu.vector_load %arg7[%swap3A_553, %swap3A_554] {strides = array<i32>} : memref<4x16xf32, #tpu.memory_space<vmem>>, vector<1x16xf32>,
      %swap3A_556 = vector.shape_cast %swap3A_555 : vector<1x16xf32> to vector<16xf32>
      %swap3A_557 = vector.shape_cast %add3A_551 : vector<16xf32> to vector<1x16xf32>
      tpu.vector_store %arg7[%swap3A_553, %swap3A_554], %swap3A_557 {strides = array<i32>} : memref<4x16xf32, #tpu.memory_space<vmem>>, vector<1x16xf32>,
      %get3A_558 = arith.constant 2 : i32
      %get3A_559 = arith.index_cast %get3A_558 : i32 to index
      %get3A_560 = arith.constant 0 : index
      %get3A_561 = tpu.vector_load %arg5[%get3A_559, %get3A_560] {strides = array<i32>} : memref<4x16xf32, #tpu.memory_space<vmem>>, vector<1x16xf32>,
      %get3A_562 = vector.shape_cast %get3A_561 : vector<1x16xf32> to vector<16xf32>
      %mul3A_563 = arith.constant 4.8828125E-4 : f32
      %mul3A_564 = vector.broadcast %mul3A_563 : f32 to vector<16xf32>
      %mul3A_565 = arith.mulf %get3A_562, %mul3A_564 : vector<16xf32>
      %get3A_566 = arith.constant 2 : i32
      %get3A_567 = arith.index_cast %get3A_566 : i32 to index
      %get3A_568 = arith.constant 0 : index
      %get3A_569 = tpu.vector_load %arg6[%get3A_567, %get3A_568] {strides = array<i32>} : memref<4x16xf32, #tpu.memory_space<vmem>>, vector<1x16xf32>,
      %get3A_570 = vector.shape_cast %get3A_569 : vector<1x16xf32> to vector<16xf32>
      %add3A_571 = arith.addf %mul3A_565, %get3A_570 : vector<16xf32>
      %iota3A_572 = tpu.iota {dimensions = array<i32: 0>} : vector<16xi32>
      %xor3A_573 = arith.constant 8 : i32
      %xor3A_574 = vector.broadcast %xor3A_573 : i32 to vector<16xi32>
      %xor3A_575 = arith.xori %iota3A_572, %xor3A_574 : vector<16xi32>
      %lt3A_576 = arith.constant 0 : i32
      %lt3A_577 = vector.broadcast %lt3A_576 : i32 to vector<16xi32>
      %lt3A_578 = arith.cmpi slt, %xor3A_575, %lt3A_577 : vector<16xi32>
      %add3A_579 = arith.constant 16 : i32
      %add3A_580 = vector.broadcast %add3A_579 : i32 to vector<16xi32>
      %add3A_581 = arith.addi %xor3A_575, %add3A_580 : vector<16xi32>
      %select_n3A_582 = arith.select %lt3A_578, %add3A_581, %xor3A_575 : vector<16xi1>, vector<16xi32>
      %broadcast_in_dim3A_583 = vector.shape_cast %select_n3A_582 : vector<16xi32> to vector<16x1xi32>
      %gather3A_584 = vector.shape_cast %broadcast_in_dim3A_583 : vector<16x1xi32> to vector<16xi32>
      %gather3A_585 = tpu.dynamic_gather %add3A_571[%gather3A_584] in [0] : vector<16xf32>, vector<16xi32> -> vector<16xf32>
      %max3A_586 = arith.maximumf %add3A_571, %gather3A_585 : vector<16xf32>
      %xor3A_587 = arith.constant 4 : i32
      %xor3A_588 = vector.broadcast %xor3A_587 : i32 to vector<16xi32>
      %xor3A_589 = arith.xori %iota3A_572, %xor3A_588 : vector<16xi32>
      %lt3A_590 = arith.constant 0 : i32
      %lt3A_591 = vector.broadcast %lt3A_590 : i32 to vector<16xi32>
      %lt3A_592 = arith.cmpi slt, %xor3A_589, %lt3A_591 : vector<16xi32>
      %add3A_593 = arith.constant 16 : i32
      %add3A_594 = vector.broadcast %add3A_593 : i32 to vector<16xi32>
      %add3A_595 = arith.addi %xor3A_589, %add3A_594 : vector<16xi32>
      %select_n3A_596 = arith.select %lt3A_592, %add3A_595, %xor3A_589 : vector<16xi1>, vector<16xi32>
      %broadcast_in_dim3A_597 = vector.shape_cast %select_n3A_596 : vector<16xi32> to vector<16x1xi32>
      %gather3A_598 = vector.shape_cast %broadcast_in_dim3A_597 : vector<16x1xi32> to vector<16xi32>
      %gather3A_599 = tpu.dynamic_gather %max3A_586[%gather3A_598] in [0] : vector<16xf32>, vector<16xi32> -> vector<16xf32>
      %max3A_600 = arith.maximumf %max3A_586, %gather3A_599 : vector<16xf32>
      %xor3A_601 = arith.constant 2 : i32
      %xor3A_602 = vector.broadcast %xor3A_601 : i32 to vector<16xi32>
      %xor3A_603 = arith.xori %iota3A_572, %xor3A_602 : vector<16xi32>
      %lt3A_604 = arith.constant 0 : i32
      %lt3A_605 = vector.broadcast %lt3A_604 : i32 to vector<16xi32>
      %lt3A_606 = arith.cmpi slt, %xor3A_603, %lt3A_605 : vector<16xi32>
      %add3A_607 = arith.constant 16 : i32
      %add3A_608 = vector.broadcast %add3A_607 : i32 to vector<16xi32>
      %add3A_609 = arith.addi %xor3A_603, %add3A_608 : vector<16xi32>
      %select_n3A_610 = arith.select %lt3A_606, %add3A_609, %xor3A_603 : vector<16xi1>, vector<16xi32>
      %broadcast_in_dim3A_611 = vector.shape_cast %select_n3A_610 : vector<16xi32> to vector<16x1xi32>
      %gather3A_612 = vector.shape_cast %broadcast_in_dim3A_611 : vector<16x1xi32> to vector<16xi32>
      %gather3A_613 = tpu.dynamic_gather %max3A_600[%gather3A_612] in [0] : vector<16xf32>, vector<16xi32> -> vector<16xf32>
      %max3A_614 = arith.maximumf %max3A_600, %gather3A_613 : vector<16xf32>
      %xor3A_615 = arith.constant 1 : i32
      %xor3A_616 = vector.broadcast %xor3A_615 : i32 to vector<16xi32>
      %xor3A_617 = arith.xori %iota3A_572, %xor3A_616 : vector<16xi32>
      %lt3A_618 = arith.constant 0 : i32
      %lt3A_619 = vector.broadcast %lt3A_618 : i32 to vector<16xi32>
      %lt3A_620 = arith.cmpi slt, %xor3A_617, %lt3A_619 : vector<16xi32>
      %add3A_621 = arith.constant 16 : i32
      %add3A_622 = vector.broadcast %add3A_621 : i32 to vector<16xi32>
      %add3A_623 = arith.addi %xor3A_617, %add3A_622 : vector<16xi32>
      %select_n3A_624 = arith.select %lt3A_620, %add3A_623, %xor3A_617 : vector<16xi1>, vector<16xi32>
      %broadcast_in_dim3A_625 = vector.shape_cast %select_n3A_624 : vector<16xi32> to vector<16x1xi32>
      %gather3A_626 = vector.shape_cast %broadcast_in_dim3A_625 : vector<16x1xi32> to vector<16xi32>
      %gather3A_627 = tpu.dynamic_gather %max3A_614[%gather3A_626] in [0] : vector<16xf32>, vector<16xi32> -> vector<16xf32>
      %max3A_628 = arith.maximumf %max3A_614, %gather3A_627 : vector<16xf32>
      %eq3A_629 = arith.cmpf oeq, %add3A_571, %max3A_628 : vector<16xf32>
      %jit3A_630 = arith.constant 16 : i32
      %broadcast_in_dim3A_631 = vector.broadcast %jit3A_630 : i32 to vector<16xi32>
      %select_n3A_632 = arith.select %eq3A_629, %iota3A, %broadcast_in_dim3A_631 : vector<16xi1>, vector<16xi32>
      %iota3A_633 = tpu.iota {dimensions = array<i32: 0>} : vector<16xi32>
      %xor3A_634 = arith.constant 8 : i32
      %xor3A_635 = vector.broadcast %xor3A_634 : i32 to vector<16xi32>
      %xor3A_636 = arith.xori %iota3A_633, %xor3A_635 : vector<16xi32>
      %lt3A_637 = arith.constant 0 : i32
      %lt3A_638 = vector.broadcast %lt3A_637 : i32 to vector<16xi32>
      %lt3A_639 = arith.cmpi slt, %xor3A_636, %lt3A_638 : vector<16xi32>
      %add3A_640 = arith.constant 16 : i32
      %add3A_641 = vector.broadcast %add3A_640 : i32 to vector<16xi32>
      %add3A_642 = arith.addi %xor3A_636, %add3A_641 : vector<16xi32>
      %select_n3A_643 = arith.select %lt3A_639, %add3A_642, %xor3A_636 : vector<16xi1>, vector<16xi32>
      %broadcast_in_dim3A_644 = vector.shape_cast %select_n3A_643 : vector<16xi32> to vector<16x1xi32>
      %gather3A_645 = vector.shape_cast %broadcast_in_dim3A_644 : vector<16x1xi32> to vector<16xi32>
      %gather3A_646 = tpu.dynamic_gather %select_n3A_632[%gather3A_645] in [0] : vector<16xi32>, vector<16xi32> -> vector<16xi32>
      %min3A_647 = arith.minsi %select_n3A_632, %gather3A_646 : vector<16xi32>
      %xor3A_648 = arith.constant 4 : i32
      %xor3A_649 = vector.broadcast %xor3A_648 : i32 to vector<16xi32>
      %xor3A_650 = arith.xori %iota3A_633, %xor3A_649 : vector<16xi32>
      %lt3A_651 = arith.constant 0 : i32
      %lt3A_652 = vector.broadcast %lt3A_651 : i32 to vector<16xi32>
      %lt3A_653 = arith.cmpi slt, %xor3A_650, %lt3A_652 : vector<16xi32>
      %add3A_654 = arith.constant 16 : i32
      %add3A_655 = vector.broadcast %add3A_654 : i32 to vector<16xi32>
      %add3A_656 = arith.addi %xor3A_650, %add3A_655 : vector<16xi32>
      %select_n3A_657 = arith.select %lt3A_653, %add3A_656, %xor3A_650 : vector<16xi1>, vector<16xi32>
      %broadcast_in_dim3A_658 = vector.shape_cast %select_n3A_657 : vector<16xi32> to vector<16x1xi32>
      %gather3A_659 = vector.shape_cast %broadcast_in_dim3A_658 : vector<16x1xi32> to vector<16xi32>
      %gather3A_660 = tpu.dynamic_gather %min3A_647[%gather3A_659] in [0] : vector<16xi32>, vector<16xi32> -> vector<16xi32>
      %min3A_661 = arith.minsi %min3A_647, %gather3A_660 : vector<16xi32>
      %xor3A_662 = arith.constant 2 : i32
      %xor3A_663 = vector.broadcast %xor3A_662 : i32 to vector<16xi32>
      %xor3A_664 = arith.xori %iota3A_633, %xor3A_663 : vector<16xi32>
      %lt3A_665 = arith.constant 0 : i32
      %lt3A_666 = vector.broadcast %lt3A_665 : i32 to vector<16xi32>
      %lt3A_667 = arith.cmpi slt, %xor3A_664, %lt3A_666 : vector<16xi32>
      %add3A_668 = arith.constant 16 : i32
      %add3A_669 = vector.broadcast %add3A_668 : i32 to vector<16xi32>
      %add3A_670 = arith.addi %xor3A_664, %add3A_669 : vector<16xi32>
      %select_n3A_671 = arith.select %lt3A_667, %add3A_670, %xor3A_664 : vector<16xi1>, vector<16xi32>
      %broadcast_in_dim3A_672 = vector.shape_cast %select_n3A_671 : vector<16xi32> to vector<16x1xi32>
      %gather3A_673 = vector.shape_cast %broadcast_in_dim3A_672 : vector<16x1xi32> to vector<16xi32>
      %gather3A_674 = tpu.dynamic_gather %min3A_661[%gather3A_673] in [0] : vector<16xi32>, vector<16xi32> -> vector<16xi32>
      %min3A_675 = arith.minsi %min3A_661, %gather3A_674 : vector<16xi32>
      %xor3A_676 = arith.constant 1 : i32
      %xor3A_677 = vector.broadcast %xor3A_676 : i32 to vector<16xi32>
      %xor3A_678 = arith.xori %iota3A_633, %xor3A_677 : vector<16xi32>
      %lt3A_679 = arith.constant 0 : i32
      %lt3A_680 = vector.broadcast %lt3A_679 : i32 to vector<16xi32>
      %lt3A_681 = arith.cmpi slt, %xor3A_678, %lt3A_680 : vector<16xi32>
      %add3A_682 = arith.constant 16 : i32
      %add3A_683 = vector.broadcast %add3A_682 : i32 to vector<16xi32>
      %add3A_684 = arith.addi %xor3A_678, %add3A_683 : vector<16xi32>
      %select_n3A_685 = arith.select %lt3A_681, %add3A_684, %xor3A_678 : vector<16xi1>, vector<16xi32>
      %broadcast_in_dim3A_686 = vector.shape_cast %select_n3A_685 : vector<16xi32> to vector<16x1xi32>
      %gather3A_687 = vector.shape_cast %broadcast_in_dim3A_686 : vector<16x1xi32> to vector<16xi32>
      %gather3A_688 = tpu.dynamic_gather %min3A_675[%gather3A_687] in [0] : vector<16xi32>, vector<16xi32> -> vector<16xi32>
      %min3A_689 = arith.minsi %min3A_675, %gather3A_688 : vector<16xi32>
      %eq3A_690 = arith.cmpi eq, %iota3A, %min3A_689 : vector<16xi32>
      %jit3A_691 = arith.constant -1.000000e+30 : f32
      %broadcast_in_dim3A_692 = vector.broadcast %jit3A_691 : f32 to vector<16xf32>
      %select_n3A_693 = arith.select %eq3A_690, %broadcast_in_dim3A_692, %add3A_571 : vector<16xi1>, vector<16xf32>
      %iota3A_694 = tpu.iota {dimensions = array<i32: 0>} : vector<16xi32>
      %xor3A_695 = arith.constant 8 : i32
      %xor3A_696 = vector.broadcast %xor3A_695 : i32 to vector<16xi32>
      %xor3A_697 = arith.xori %iota3A_694, %xor3A_696 : vector<16xi32>
      %lt3A_698 = arith.constant 0 : i32
      %lt3A_699 = vector.broadcast %lt3A_698 : i32 to vector<16xi32>
      %lt3A_700 = arith.cmpi slt, %xor3A_697, %lt3A_699 : vector<16xi32>
      %add3A_701 = arith.constant 16 : i32
      %add3A_702 = vector.broadcast %add3A_701 : i32 to vector<16xi32>
      %add3A_703 = arith.addi %xor3A_697, %add3A_702 : vector<16xi32>
      %select_n3A_704 = arith.select %lt3A_700, %add3A_703, %xor3A_697 : vector<16xi1>, vector<16xi32>
      %broadcast_in_dim3A_705 = vector.shape_cast %select_n3A_704 : vector<16xi32> to vector<16x1xi32>
      %gather3A_706 = vector.shape_cast %broadcast_in_dim3A_705 : vector<16x1xi32> to vector<16xi32>
      %gather3A_707 = tpu.dynamic_gather %select_n3A_693[%gather3A_706] in [0] : vector<16xf32>, vector<16xi32> -> vector<16xf32>
      %max3A_708 = arith.maximumf %select_n3A_693, %gather3A_707 : vector<16xf32>
      %xor3A_709 = arith.constant 4 : i32
      %xor3A_710 = vector.broadcast %xor3A_709 : i32 to vector<16xi32>
      %xor3A_711 = arith.xori %iota3A_694, %xor3A_710 : vector<16xi32>
      %lt3A_712 = arith.constant 0 : i32
      %lt3A_713 = vector.broadcast %lt3A_712 : i32 to vector<16xi32>
      %lt3A_714 = arith.cmpi slt, %xor3A_711, %lt3A_713 : vector<16xi32>
      %add3A_715 = arith.constant 16 : i32
      %add3A_716 = vector.broadcast %add3A_715 : i32 to vector<16xi32>
      %add3A_717 = arith.addi %xor3A_711, %add3A_716 : vector<16xi32>
      %select_n3A_718 = arith.select %lt3A_714, %add3A_717, %xor3A_711 : vector<16xi1>, vector<16xi32>
      %broadcast_in_dim3A_719 = vector.shape_cast %select_n3A_718 : vector<16xi32> to vector<16x1xi32>
      %gather3A_720 = vector.shape_cast %broadcast_in_dim3A_719 : vector<16x1xi32> to vector<16xi32>
      %gather3A_721 = tpu.dynamic_gather %max3A_708[%gather3A_720] in [0] : vector<16xf32>, vector<16xi32> -> vector<16xf32>
      %max3A_722 = arith.maximumf %max3A_708, %gather3A_721 : vector<16xf32>
      %xor3A_723 = arith.constant 2 : i32
      %xor3A_724 = vector.broadcast %xor3A_723 : i32 to vector<16xi32>
      %xor3A_725 = arith.xori %iota3A_694, %xor3A_724 : vector<16xi32>
      %lt3A_726 = arith.constant 0 : i32
      %lt3A_727 = vector.broadcast %lt3A_726 : i32 to vector<16xi32>
      %lt3A_728 = arith.cmpi slt, %xor3A_725, %lt3A_727 : vector<16xi32>
      %add3A_729 = arith.constant 16 : i32
      %add3A_730 = vector.broadcast %add3A_729 : i32 to vector<16xi32>
      %add3A_731 = arith.addi %xor3A_725, %add3A_730 : vector<16xi32>
      %select_n3A_732 = arith.select %lt3A_728, %add3A_731, %xor3A_725 : vector<16xi1>, vector<16xi32>
      %broadcast_in_dim3A_733 = vector.shape_cast %select_n3A_732 : vector<16xi32> to vector<16x1xi32>
      %gather3A_734 = vector.shape_cast %broadcast_in_dim3A_733 : vector<16x1xi32> to vector<16xi32>
      %gather3A_735 = tpu.dynamic_gather %max3A_722[%gather3A_734] in [0] : vector<16xf32>, vector<16xi32> -> vector<16xf32>
      %max3A_736 = arith.maximumf %max3A_722, %gather3A_735 : vector<16xf32>
      %xor3A_737 = arith.constant 1 : i32
      %xor3A_738 = vector.broadcast %xor3A_737 : i32 to vector<16xi32>
      %xor3A_739 = arith.xori %iota3A_694, %xor3A_738 : vector<16xi32>
      %lt3A_740 = arith.constant 0 : i32
      %lt3A_741 = vector.broadcast %lt3A_740 : i32 to vector<16xi32>
      %lt3A_742 = arith.cmpi slt, %xor3A_739, %lt3A_741 : vector<16xi32>
      %add3A_743 = arith.constant 16 : i32
      %add3A_744 = vector.broadcast %add3A_743 : i32 to vector<16xi32>
      %add3A_745 = arith.addi %xor3A_739, %add3A_744 : vector<16xi32>
      %select_n3A_746 = arith.select %lt3A_742, %add3A_745, %xor3A_739 : vector<16xi1>, vector<16xi32>
      %broadcast_in_dim3A_747 = vector.shape_cast %select_n3A_746 : vector<16xi32> to vector<16x1xi32>
      %gather3A_748 = vector.shape_cast %broadcast_in_dim3A_747 : vector<16x1xi32> to vector<16xi32>
      %gather3A_749 = tpu.dynamic_gather %max3A_736[%gather3A_748] in [0] : vector<16xf32>, vector<16xi32> -> vector<16xf32>
      %max3A_750 = arith.maximumf %max3A_736, %gather3A_749 : vector<16xf32>
      %eq3A_751 = arith.cmpf oeq, %select_n3A_693, %max3A_750 : vector<16xf32>
      %jit3A_752 = arith.constant 16 : i32
      %broadcast_in_dim3A_753 = vector.broadcast %jit3A_752 : i32 to vector<16xi32>
      %select_n3A_754 = arith.select %eq3A_751, %iota3A, %broadcast_in_dim3A_753 : vector<16xi1>, vector<16xi32>
      %iota3A_755 = tpu.iota {dimensions = array<i32: 0>} : vector<16xi32>
      %xor3A_756 = arith.constant 8 : i32
      %xor3A_757 = vector.broadcast %xor3A_756 : i32 to vector<16xi32>
      %xor3A_758 = arith.xori %iota3A_755, %xor3A_757 : vector<16xi32>
      %lt3A_759 = arith.constant 0 : i32
      %lt3A_760 = vector.broadcast %lt3A_759 : i32 to vector<16xi32>
      %lt3A_761 = arith.cmpi slt, %xor3A_758, %lt3A_760 : vector<16xi32>
      %add3A_762 = arith.constant 16 : i32
      %add3A_763 = vector.broadcast %add3A_762 : i32 to vector<16xi32>
      %add3A_764 = arith.addi %xor3A_758, %add3A_763 : vector<16xi32>
      %select_n3A_765 = arith.select %lt3A_761, %add3A_764, %xor3A_758 : vector<16xi1>, vector<16xi32>
      %broadcast_in_dim3A_766 = vector.shape_cast %select_n3A_765 : vector<16xi32> to vector<16x1xi32>
      %gather3A_767 = vector.shape_cast %broadcast_in_dim3A_766 : vector<16x1xi32> to vector<16xi32>
      %gather3A_768 = tpu.dynamic_gather %select_n3A_754[%gather3A_767] in [0] : vector<16xi32>, vector<16xi32> -> vector<16xi32>
      %min3A_769 = arith.minsi %select_n3A_754, %gather3A_768 : vector<16xi32>
      %xor3A_770 = arith.constant 4 : i32
      %xor3A_771 = vector.broadcast %xor3A_770 : i32 to vector<16xi32>
      %xor3A_772 = arith.xori %iota3A_755, %xor3A_771 : vector<16xi32>
      %lt3A_773 = arith.constant 0 : i32
      %lt3A_774 = vector.broadcast %lt3A_773 : i32 to vector<16xi32>
      %lt3A_775 = arith.cmpi slt, %xor3A_772, %lt3A_774 : vector<16xi32>
      %add3A_776 = arith.constant 16 : i32
      %add3A_777 = vector.broadcast %add3A_776 : i32 to vector<16xi32>
      %add3A_778 = arith.addi %xor3A_772, %add3A_777 : vector<16xi32>
      %select_n3A_779 = arith.select %lt3A_775, %add3A_778, %xor3A_772 : vector<16xi1>, vector<16xi32>
      %broadcast_in_dim3A_780 = vector.shape_cast %select_n3A_779 : vector<16xi32> to vector<16x1xi32>
      %gather3A_781 = vector.shape_cast %broadcast_in_dim3A_780 : vector<16x1xi32> to vector<16xi32>
      %gather3A_782 = tpu.dynamic_gather %min3A_769[%gather3A_781] in [0] : vector<16xi32>, vector<16xi32> -> vector<16xi32>
      %min3A_783 = arith.minsi %min3A_769, %gather3A_782 : vector<16xi32>
      %xor3A_784 = arith.constant 2 : i32
      %xor3A_785 = vector.broadcast %xor3A_784 : i32 to vector<16xi32>
      %xor3A_786 = arith.xori %iota3A_755, %xor3A_785 : vector<16xi32>
      %lt3A_787 = arith.constant 0 : i32
      %lt3A_788 = vector.broadcast %lt3A_787 : i32 to vector<16xi32>
      %lt3A_789 = arith.cmpi slt, %xor3A_786, %lt3A_788 : vector<16xi32>
      %add3A_790 = arith.constant 16 : i32
      %add3A_791 = vector.broadcast %add3A_790 : i32 to vector<16xi32>
      %add3A_792 = arith.addi %xor3A_786, %add3A_791 : vector<16xi32>
      %select_n3A_793 = arith.select %lt3A_789, %add3A_792, %xor3A_786 : vector<16xi1>, vector<16xi32>
      %broadcast_in_dim3A_794 = vector.shape_cast %select_n3A_793 : vector<16xi32> to vector<16x1xi32>
      %gather3A_795 = vector.shape_cast %broadcast_in_dim3A_794 : vector<16x1xi32> to vector<16xi32>
      %gather3A_796 = tpu.dynamic_gather %min3A_783[%gather3A_795] in [0] : vector<16xi32>, vector<16xi32> -> vector<16xi32>
      %min3A_797 = arith.minsi %min3A_783, %gather3A_796 : vector<16xi32>
      %xor3A_798 = arith.constant 1 : i32
      %xor3A_799 = vector.broadcast %xor3A_798 : i32 to vector<16xi32>
      %xor3A_800 = arith.xori %iota3A_755, %xor3A_799 : vector<16xi32>
      %lt3A_801 = arith.constant 0 : i32
      %lt3A_802 = vector.broadcast %lt3A_801 : i32 to vector<16xi32>
      %lt3A_803 = arith.cmpi slt, %xor3A_800, %lt3A_802 : vector<16xi32>
      %add3A_804 = arith.constant 16 : i32
      %add3A_805 = vector.broadcast %add3A_804 : i32 to vector<16xi32>
      %add3A_806 = arith.addi %xor3A_800, %add3A_805 : vector<16xi32>
      %select_n3A_807 = arith.select %lt3A_803, %add3A_806, %xor3A_800 : vector<16xi1>, vector<16xi32>
      %broadcast_in_dim3A_808 = vector.shape_cast %select_n3A_807 : vector<16xi32> to vector<16x1xi32>
      %gather3A_809 = vector.shape_cast %broadcast_in_dim3A_808 : vector<16x1xi32> to vector<16xi32>
      %gather3A_810 = tpu.dynamic_gather %min3A_797[%gather3A_809] in [0] : vector<16xi32>, vector<16xi32> -> vector<16xi32>
      %min3A_811 = arith.minsi %min3A_797, %gather3A_810 : vector<16xi32>
      %sub3A_812 = arith.subf %max3A_750, %max3A_628 : vector<16xf32>
      %exp3A_813 = math.exp %sub3A_812 : vector<16xf32>
      %eq3A_814 = arith.cmpi eq, %iota3A, %min3A_689 : vector<16xi32>
      %add3A_815 = arith.constant 1.000000e+00 : f32
      %add3A_816 = vector.broadcast %add3A_815 : f32 to vector<16xf32>
      %add3A_817 = arith.addf %add3A_816, %exp3A_813 : vector<16xf32>
      %div3A_818 = arith.constant 1.000000e+00 : f32
      %div3A_819 = vector.broadcast %div3A_818 : f32 to vector<16xf32>
      %div3A_820 = arith.divf %div3A_819, %add3A_817 : vector<16xf32>
      %jit3A_821 = arith.constant 0.000000e+00 : f32
      %broadcast_in_dim3A_822 = vector.broadcast %jit3A_821 : f32 to vector<16xf32>
      %select_n3A_823 = arith.select %eq3A_814, %div3A_820, %broadcast_in_dim3A_822 : vector<16xi1>, vector<16xf32>
      %eq3A_824 = arith.cmpi eq, %iota3A, %min3A_811 : vector<16xi32>
      %mul3A_825 = arith.constant 1.000000e+00 : f32
      %mul3A_826 = vector.broadcast %mul3A_825 : f32 to vector<16xf32>
      %mul3A_827 = arith.mulf %mul3A_826, %exp3A_813 : vector<16xf32>
      %add3A_828 = arith.constant 1.000000e+00 : f32
      %add3A_829 = vector.broadcast %add3A_828 : f32 to vector<16xf32>
      %add3A_830 = arith.addf %add3A_829, %exp3A_813 : vector<16xf32>
      %div3A_831 = arith.divf %mul3A_827, %add3A_830 : vector<16xf32>
      %jit3A_832 = arith.constant 0.000000e+00 : f32
      %broadcast_in_dim3A_833 = vector.broadcast %jit3A_832 : f32 to vector<16xf32>
      %select_n3A_834 = arith.select %eq3A_824, %div3A_831, %broadcast_in_dim3A_833 : vector<16xi1>, vector<16xf32>
      %add3A_835 = arith.addf %select_n3A_823, %select_n3A_834 : vector<16xf32>
      %swap3A_836 = arith.constant 2 : i32
      %swap3A_837 = arith.index_cast %swap3A_836 : i32 to index
      %swap3A_838 = arith.constant 0 : index
      %swap3A_839 = tpu.vector_load %arg7[%swap3A_837, %swap3A_838] {strides = array<i32>} : memref<4x16xf32, #tpu.memory_space<vmem>>, vector<1x16xf32>,
      %swap3A_840 = vector.shape_cast %swap3A_839 : vector<1x16xf32> to vector<16xf32>
      %swap3A_841 = vector.shape_cast %add3A_835 : vector<16xf32> to vector<1x16xf32>
      tpu.vector_store %arg7[%swap3A_837, %swap3A_838], %swap3A_841 {strides = array<i32>} : memref<4x16xf32, #tpu.memory_space<vmem>>, vector<1x16xf32>,
      %get3A_842 = arith.constant 3 : i32
      %get3A_843 = arith.index_cast %get3A_842 : i32 to index
      %get3A_844 = arith.constant 0 : index
      %get3A_845 = tpu.vector_load %arg5[%get3A_843, %get3A_844] {strides = array<i32>} : memref<4x16xf32, #tpu.memory_space<vmem>>, vector<1x16xf32>,
      %get3A_846 = vector.shape_cast %get3A_845 : vector<1x16xf32> to vector<16xf32>
      %mul3A_847 = arith.constant 4.8828125E-4 : f32
      %mul3A_848 = vector.broadcast %mul3A_847 : f32 to vector<16xf32>
      %mul3A_849 = arith.mulf %get3A_846, %mul3A_848 : vector<16xf32>
      %get3A_850 = arith.constant 3 : i32
      %get3A_851 = arith.index_cast %get3A_850 : i32 to index
      %get3A_852 = arith.constant 0 : index
      %get3A_853 = tpu.vector_load %arg6[%get3A_851, %get3A_852] {strides = array<i32>} : memref<4x16xf32, #tpu.memory_space<vmem>>, vector<1x16xf32>,
      %get3A_854 = vector.shape_cast %get3A_853 : vector<1x16xf32> to vector<16xf32>
      %add3A_855 = arith.addf %mul3A_849, %get3A_854 : vector<16xf32>
      %iota3A_856 = tpu.iota {dimensions = array<i32: 0>} : vector<16xi32>
      %xor3A_857 = arith.constant 8 : i32
      %xor3A_858 = vector.broadcast %xor3A_857 : i32 to vector<16xi32>
      %xor3A_859 = arith.xori %iota3A_856, %xor3A_858 : vector<16xi32>
      %lt3A_860 = arith.constant 0 : i32
      %lt3A_861 = vector.broadcast %lt3A_860 : i32 to vector<16xi32>
      %lt3A_862 = arith.cmpi slt, %xor3A_859, %lt3A_861 : vector<16xi32>
      %add3A_863 = arith.constant 16 : i32
      %add3A_864 = vector.broadcast %add3A_863 : i32 to vector<16xi32>
      %add3A_865 = arith.addi %xor3A_859, %add3A_864 : vector<16xi32>
      %select_n3A_866 = arith.select %lt3A_862, %add3A_865, %xor3A_859 : vector<16xi1>, vector<16xi32>
      %broadcast_in_dim3A_867 = vector.shape_cast %select_n3A_866 : vector<16xi32> to vector<16x1xi32>
      %gather3A_868 = vector.shape_cast %broadcast_in_dim3A_867 : vector<16x1xi32> to vector<16xi32>
      %gather3A_869 = tpu.dynamic_gather %add3A_855[%gather3A_868] in [0] : vector<16xf32>, vector<16xi32> -> vector<16xf32>
      %max3A_870 = arith.maximumf %add3A_855, %gather3A_869 : vector<16xf32>
      %xor3A_871 = arith.constant 4 : i32
      %xor3A_872 = vector.broadcast %xor3A_871 : i32 to vector<16xi32>
      %xor3A_873 = arith.xori %iota3A_856, %xor3A_872 : vector<16xi32>
      %lt3A_874 = arith.constant 0 : i32
      %lt3A_875 = vector.broadcast %lt3A_874 : i32 to vector<16xi32>
      %lt3A_876 = arith.cmpi slt, %xor3A_873, %lt3A_875 : vector<16xi32>
      %add3A_877 = arith.constant 16 : i32
      %add3A_878 = vector.broadcast %add3A_877 : i32 to vector<16xi32>
      %add3A_879 = arith.addi %xor3A_873, %add3A_878 : vector<16xi32>
      %select_n3A_880 = arith.select %lt3A_876, %add3A_879, %xor3A_873 : vector<16xi1>, vector<16xi32>
      %broadcast_in_dim3A_881 = vector.shape_cast %select_n3A_880 : vector<16xi32> to vector<16x1xi32>
      %gather3A_882 = vector.shape_cast %broadcast_in_dim3A_881 : vector<16x1xi32> to vector<16xi32>
      %gather3A_883 = tpu.dynamic_gather %max3A_870[%gather3A_882] in [0] : vector<16xf32>, vector<16xi32> -> vector<16xf32>
      %max3A_884 = arith.maximumf %max3A_870, %gather3A_883 : vector<16xf32>
      %xor3A_885 = arith.constant 2 : i32
      %xor3A_886 = vector.broadcast %xor3A_885 : i32 to vector<16xi32>
      %xor3A_887 = arith.xori %iota3A_856, %xor3A_886 : vector<16xi32>
      %lt3A_888 = arith.constant 0 : i32
      %lt3A_889 = vector.broadcast %lt3A_888 : i32 to vector<16xi32>
      %lt3A_890 = arith.cmpi slt, %xor3A_887, %lt3A_889 : vector<16xi32>
      %add3A_891 = arith.constant 16 : i32
      %add3A_892 = vector.broadcast %add3A_891 : i32 to vector<16xi32>
      %add3A_893 = arith.addi %xor3A_887, %add3A_892 : vector<16xi32>
      %select_n3A_894 = arith.select %lt3A_890, %add3A_893, %xor3A_887 : vector<16xi1>, vector<16xi32>
      %broadcast_in_dim3A_895 = vector.shape_cast %select_n3A_894 : vector<16xi32> to vector<16x1xi32>
      %gather3A_896 = vector.shape_cast %broadcast_in_dim3A_895 : vector<16x1xi32> to vector<16xi32>
      %gather3A_897 = tpu.dynamic_gather %max3A_884[%gather3A_896] in [0] : vector<16xf32>, vector<16xi32> -> vector<16xf32>
      %max3A_898 = arith.maximumf %max3A_884, %gather3A_897 : vector<16xf32>
      %xor3A_899 = arith.constant 1 : i32
      %xor3A_900 = vector.broadcast %xor3A_899 : i32 to vector<16xi32>
      %xor3A_901 = arith.xori %iota3A_856, %xor3A_900 : vector<16xi32>
      %lt3A_902 = arith.constant 0 : i32
      %lt3A_903 = vector.broadcast %lt3A_902 : i32 to vector<16xi32>
      %lt3A_904 = arith.cmpi slt, %xor3A_901, %lt3A_903 : vector<16xi32>
      %add3A_905 = arith.constant 16 : i32
      %add3A_906 = vector.broadcast %add3A_905 : i32 to vector<16xi32>
      %add3A_907 = arith.addi %xor3A_901, %add3A_906 : vector<16xi32>
      %select_n3A_908 = arith.select %lt3A_904, %add3A_907, %xor3A_901 : vector<16xi1>, vector<16xi32>
      %broadcast_in_dim3A_909 = vector.shape_cast %select_n3A_908 : vector<16xi32> to vector<16x1xi32>
      %gather3A_910 = vector.shape_cast %broadcast_in_dim3A_909 : vector<16x1xi32> to vector<16xi32>
      %gather3A_911 = tpu.dynamic_gather %max3A_898[%gather3A_910] in [0] : vector<16xf32>, vector<16xi32> -> vector<16xf32>
      %max3A_912 = arith.maximumf %max3A_898, %gather3A_911 : vector<16xf32>
      %eq3A_913 = arith.cmpf oeq, %add3A_855, %max3A_912 : vector<16xf32>
      %jit3A_914 = arith.constant 16 : i32
      %broadcast_in_dim3A_915 = vector.broadcast %jit3A_914 : i32 to vector<16xi32>
      %select_n3A_916 = arith.select %eq3A_913, %iota3A, %broadcast_in_dim3A_915 : vector<16xi1>, vector<16xi32>
      %iota3A_917 = tpu.iota {dimensions = array<i32: 0>} : vector<16xi32>
      %xor3A_918 = arith.constant 8 : i32
      %xor3A_919 = vector.broadcast %xor3A_918 : i32 to vector<16xi32>
      %xor3A_920 = arith.xori %iota3A_917, %xor3A_919 : vector<16xi32>
      %lt3A_921 = arith.constant 0 : i32
      %lt3A_922 = vector.broadcast %lt3A_921 : i32 to vector<16xi32>
      %lt3A_923 = arith.cmpi slt, %xor3A_920, %lt3A_922 : vector<16xi32>
      %add3A_924 = arith.constant 16 : i32
      %add3A_925 = vector.broadcast %add3A_924 : i32 to vector<16xi32>
      %add3A_926 = arith.addi %xor3A_920, %add3A_925 : vector<16xi32>
      %select_n3A_927 = arith.select %lt3A_923, %add3A_926, %xor3A_920 : vector<16xi1>, vector<16xi32>
      %broadcast_in_dim3A_928 = vector.shape_cast %select_n3A_927 : vector<16xi32> to vector<16x1xi32>
      %gather3A_929 = vector.shape_cast %broadcast_in_dim3A_928 : vector<16x1xi32> to vector<16xi32>
      %gather3A_930 = tpu.dynamic_gather %select_n3A_916[%gather3A_929] in [0] : vector<16xi32>, vector<16xi32> -> vector<16xi32>
      %min3A_931 = arith.minsi %select_n3A_916, %gather3A_930 : vector<16xi32>
      %xor3A_932 = arith.constant 4 : i32
      %xor3A_933 = vector.broadcast %xor3A_932 : i32 to vector<16xi32>
      %xor3A_934 = arith.xori %iota3A_917, %xor3A_933 : vector<16xi32>
      %lt3A_935 = arith.constant 0 : i32
      %lt3A_936 = vector.broadcast %lt3A_935 : i32 to vector<16xi32>
      %lt3A_937 = arith.cmpi slt, %xor3A_934, %lt3A_936 : vector<16xi32>
      %add3A_938 = arith.constant 16 : i32
      %add3A_939 = vector.broadcast %add3A_938 : i32 to vector<16xi32>
      %add3A_940 = arith.addi %xor3A_934, %add3A_939 : vector<16xi32>
      %select_n3A_941 = arith.select %lt3A_937, %add3A_940, %xor3A_934 : vector<16xi1>, vector<16xi32>
      %broadcast_in_dim3A_942 = vector.shape_cast %select_n3A_941 : vector<16xi32> to vector<16x1xi32>
      %gather3A_943 = vector.shape_cast %broadcast_in_dim3A_942 : vector<16x1xi32> to vector<16xi32>
      %gather3A_944 = tpu.dynamic_gather %min3A_931[%gather3A_943] in [0] : vector<16xi32>, vector<16xi32> -> vector<16xi32>
      %min3A_945 = arith.minsi %min3A_931, %gather3A_944 : vector<16xi32>
      %xor3A_946 = arith.constant 2 : i32
      %xor3A_947 = vector.broadcast %xor3A_946 : i32 to vector<16xi32>
      %xor3A_948 = arith.xori %iota3A_917, %xor3A_947 : vector<16xi32>
      %lt3A_949 = arith.constant 0 : i32
      %lt3A_950 = vector.broadcast %lt3A_949 : i32 to vector<16xi32>
      %lt3A_951 = arith.cmpi slt, %xor3A_948, %lt3A_950 : vector<16xi32>
      %add3A_952 = arith.constant 16 : i32
      %add3A_953 = vector.broadcast %add3A_952 : i32 to vector<16xi32>
      %add3A_954 = arith.addi %xor3A_948, %add3A_953 : vector<16xi32>
      %select_n3A_955 = arith.select %lt3A_951, %add3A_954, %xor3A_948 : vector<16xi1>, vector<16xi32>
      %broadcast_in_dim3A_956 = vector.shape_cast %select_n3A_955 : vector<16xi32> to vector<16x1xi32>
      %gather3A_957 = vector.shape_cast %broadcast_in_dim3A_956 : vector<16x1xi32> to vector<16xi32>
      %gather3A_958 = tpu.dynamic_gather %min3A_945[%gather3A_957] in [0] : vector<16xi32>, vector<16xi32> -> vector<16xi32>
      %min3A_959 = arith.minsi %min3A_945, %gather3A_958 : vector<16xi32>
      %xor3A_960 = arith.constant 1 : i32
      %xor3A_961 = vector.broadcast %xor3A_960 : i32 to vector<16xi32>
      %xor3A_962 = arith.xori %iota3A_917, %xor3A_961 : vector<16xi32>
      %lt3A_963 = arith.constant 0 : i32
      %lt3A_964 = vector.broadcast %lt3A_963 : i32 to vector<16xi32>
      %lt3A_965 = arith.cmpi slt, %xor3A_962, %lt3A_964 : vector<16xi32>
      %add3A_966 = arith.constant 16 : i32
      %add3A_967 = vector.broadcast %add3A_966 : i32 to vector<16xi32>
      %add3A_968 = arith.addi %xor3A_962, %add3A_967 : vector<16xi32>
      %select_n3A_969 = arith.select %lt3A_965, %add3A_968, %xor3A_962 : vector<16xi1>, vector<16xi32>
      %broadcast_in_dim3A_970 = vector.shape_cast %select_n3A_969 : vector<16xi32> to vector<16x1xi32>
      %gather3A_971 = vector.shape_cast %broadcast_in_dim3A_970 : vector<16x1xi32> to vector<16xi32>
      %gather3A_972 = tpu.dynamic_gather %min3A_959[%gather3A_971] in [0] : vector<16xi32>, vector<16xi32> -> vector<16xi32>
      %min3A_973 = arith.minsi %min3A_959, %gather3A_972 : vector<16xi32>
      %eq3A_974 = arith.cmpi eq, %iota3A, %min3A_973 : vector<16xi32>
      %jit3A_975 = arith.constant -1.000000e+30 : f32
      %broadcast_in_dim3A_976 = vector.broadcast %jit3A_975 : f32 to vector<16xf32>
      %select_n3A_977 = arith.select %eq3A_974, %broadcast_in_dim3A_976, %add3A_855 : vector<16xi1>, vector<16xf32>
      %iota3A_978 = tpu.iota {dimensions = array<i32: 0>} : vector<16xi32>
      %xor3A_979 = arith.constant 8 : i32
      %xor3A_980 = vector.broadcast %xor3A_979 : i32 to vector<16xi32>
      %xor3A_981 = arith.xori %iota3A_978, %xor3A_980 : vector<16xi32>
      %lt3A_982 = arith.constant 0 : i32
      %lt3A_983 = vector.broadcast %lt3A_982 : i32 to vector<16xi32>
      %lt3A_984 = arith.cmpi slt, %xor3A_981, %lt3A_983 : vector<16xi32>
      %add3A_985 = arith.constant 16 : i32
      %add3A_986 = vector.broadcast %add3A_985 : i32 to vector<16xi32>
      %add3A_987 = arith.addi %xor3A_981, %add3A_986 : vector<16xi32>
      %select_n3A_988 = arith.select %lt3A_984, %add3A_987, %xor3A_981 : vector<16xi1>, vector<16xi32>
      %broadcast_in_dim3A_989 = vector.shape_cast %select_n3A_988 : vector<16xi32> to vector<16x1xi32>
      %gather3A_990 = vector.shape_cast %broadcast_in_dim3A_989 : vector<16x1xi32> to vector<16xi32>
      %gather3A_991 = tpu.dynamic_gather %select_n3A_977[%gather3A_990] in [0] : vector<16xf32>, vector<16xi32> -> vector<16xf32>
      %max3A_992 = arith.maximumf %select_n3A_977, %gather3A_991 : vector<16xf32>
      %xor3A_993 = arith.constant 4 : i32
      %xor3A_994 = vector.broadcast %xor3A_993 : i32 to vector<16xi32>
      %xor3A_995 = arith.xori %iota3A_978, %xor3A_994 : vector<16xi32>
      %lt3A_996 = arith.constant 0 : i32
      %lt3A_997 = vector.broadcast %lt3A_996 : i32 to vector<16xi32>
      %lt3A_998 = arith.cmpi slt, %xor3A_995, %lt3A_997 : vector<16xi32>
      %add3A_999 = arith.constant 16 : i32
      %add3A_1000 = vector.broadcast %add3A_999 : i32 to vector<16xi32>
      %add3A_1001 = arith.addi %xor3A_995, %add3A_1000 : vector<16xi32>
      %select_n3A_1002 = arith.select %lt3A_998, %add3A_1001, %xor3A_995 : vector<16xi1>, vector<16xi32>
      %broadcast_in_dim3A_1003 = vector.shape_cast %select_n3A_1002 : vector<16xi32> to vector<16x1xi32>
      %gather3A_1004 = vector.shape_cast %broadcast_in_dim3A_1003 : vector<16x1xi32> to vector<16xi32>
      %gather3A_1005 = tpu.dynamic_gather %max3A_992[%gather3A_1004] in [0] : vector<16xf32>, vector<16xi32> -> vector<16xf32>
      %max3A_1006 = arith.maximumf %max3A_992, %gather3A_1005 : vector<16xf32>
      %xor3A_1007 = arith.constant 2 : i32
      %xor3A_1008 = vector.broadcast %xor3A_1007 : i32 to vector<16xi32>
      %xor3A_1009 = arith.xori %iota3A_978, %xor3A_1008 : vector<16xi32>
      %lt3A_1010 = arith.constant 0 : i32
      %lt3A_1011 = vector.broadcast %lt3A_1010 : i32 to vector<16xi32>
      %lt3A_1012 = arith.cmpi slt, %xor3A_1009, %lt3A_1011 : vector<16xi32>
      %add3A_1013 = arith.constant 16 : i32
      %add3A_1014 = vector.broadcast %add3A_1013 : i32 to vector<16xi32>
      %add3A_1015 = arith.addi %xor3A_1009, %add3A_1014 : vector<16xi32>
      %select_n3A_1016 = arith.select %lt3A_1012, %add3A_1015, %xor3A_1009 : vector<16xi1>, vector<16xi32>
      %broadcast_in_dim3A_1017 = vector.shape_cast %select_n3A_1016 : vector<16xi32> to vector<16x1xi32>
      %gather3A_1018 = vector.shape_cast %broadcast_in_dim3A_1017 : vector<16x1xi32> to vector<16xi32>
      %gather3A_1019 = tpu.dynamic_gather %max3A_1006[%gather3A_1018] in [0] : vector<16xf32>, vector<16xi32> -> vector<16xf32>
      %max3A_1020 = arith.maximumf %max3A_1006, %gather3A_1019 : vector<16xf32>
      %xor3A_1021 = arith.constant 1 : i32
      %xor3A_1022 = vector.broadcast %xor3A_1021 : i32 to vector<16xi32>
      %xor3A_1023 = arith.xori %iota3A_978, %xor3A_1022 : vector<16xi32>
      %lt3A_1024 = arith.constant 0 : i32
      %lt3A_1025 = vector.broadcast %lt3A_1024 : i32 to vector<16xi32>
      %lt3A_1026 = arith.cmpi slt, %xor3A_1023, %lt3A_1025 : vector<16xi32>
      %add3A_1027 = arith.constant 16 : i32
      %add3A_1028 = vector.broadcast %add3A_1027 : i32 to vector<16xi32>
      %add3A_1029 = arith.addi %xor3A_1023, %add3A_1028 : vector<16xi32>
      %select_n3A_1030 = arith.select %lt3A_1026, %add3A_1029, %xor3A_1023 : vector<16xi1>, vector<16xi32>
      %broadcast_in_dim3A_1031 = vector.shape_cast %select_n3A_1030 : vector<16xi32> to vector<16x1xi32>
      %gather3A_1032 = vector.shape_cast %broadcast_in_dim3A_1031 : vector<16x1xi32> to vector<16xi32>
      %gather3A_1033 = tpu.dynamic_gather %max3A_1020[%gather3A_1032] in [0] : vector<16xf32>, vector<16xi32> -> vector<16xf32>
      %max3A_1034 = arith.maximumf %max3A_1020, %gather3A_1033 : vector<16xf32>
      %eq3A_1035 = arith.cmpf oeq, %select_n3A_977, %max3A_1034 : vector<16xf32>
      %jit3A_1036 = arith.constant 16 : i32
      %broadcast_in_dim3A_1037 = vector.broadcast %jit3A_1036 : i32 to vector<16xi32>
      %select_n3A_1038 = arith.select %eq3A_1035, %iota3A, %broadcast_in_dim3A_1037 : vector<16xi1>, vector<16xi32>
      %iota3A_1039 = tpu.iota {dimensions = array<i32: 0>} : vector<16xi32>
      %xor3A_1040 = arith.constant 8 : i32
      %xor3A_1041 = vector.broadcast %xor3A_1040 : i32 to vector<16xi32>
      %xor3A_1042 = arith.xori %iota3A_1039, %xor3A_1041 : vector<16xi32>
      %lt3A_1043 = arith.constant 0 : i32
      %lt3A_1044 = vector.broadcast %lt3A_1043 : i32 to vector<16xi32>
      %lt3A_1045 = arith.cmpi slt, %xor3A_1042, %lt3A_1044 : vector<16xi32>
      %add3A_1046 = arith.constant 16 : i32
      %add3A_1047 = vector.broadcast %add3A_1046 : i32 to vector<16xi32>
      %add3A_1048 = arith.addi %xor3A_1042, %add3A_1047 : vector<16xi32>
      %select_n3A_1049 = arith.select %lt3A_1045, %add3A_1048, %xor3A_1042 : vector<16xi1>, vector<16xi32>
      %broadcast_in_dim3A_1050 = vector.shape_cast %select_n3A_1049 : vector<16xi32> to vector<16x1xi32>
      %gather3A_1051 = vector.shape_cast %broadcast_in_dim3A_1050 : vector<16x1xi32> to vector<16xi32>
      %gather3A_1052 = tpu.dynamic_gather %select_n3A_1038[%gather3A_1051] in [0] : vector<16xi32>, vector<16xi32> -> vector<16xi32>
      %min3A_1053 = arith.minsi %select_n3A_1038, %gather3A_1052 : vector<16xi32>
      %xor3A_1054 = arith.constant 4 : i32
      %xor3A_1055 = vector.broadcast %xor3A_1054 : i32 to vector<16xi32>
      %xor3A_1056 = arith.xori %iota3A_1039, %xor3A_1055 : vector<16xi32>
      %lt3A_1057 = arith.constant 0 : i32
      %lt3A_1058 = vector.broadcast %lt3A_1057 : i32 to vector<16xi32>
      %lt3A_1059 = arith.cmpi slt, %xor3A_1056, %lt3A_1058 : vector<16xi32>
      %add3A_1060 = arith.constant 16 : i32
      %add3A_1061 = vector.broadcast %add3A_1060 : i32 to vector<16xi32>
      %add3A_1062 = arith.addi %xor3A_1056, %add3A_1061 : vector<16xi32>
      %select_n3A_1063 = arith.select %lt3A_1059, %add3A_1062, %xor3A_1056 : vector<16xi1>, vector<16xi32>
      %broadcast_in_dim3A_1064 = vector.shape_cast %select_n3A_1063 : vector<16xi32> to vector<16x1xi32>
      %gather3A_1065 = vector.shape_cast %broadcast_in_dim3A_1064 : vector<16x1xi32> to vector<16xi32>
      %gather3A_1066 = tpu.dynamic_gather %min3A_1053[%gather3A_1065] in [0] : vector<16xi32>, vector<16xi32> -> vector<16xi32>
      %min3A_1067 = arith.minsi %min3A_1053, %gather3A_1066 : vector<16xi32>
      %xor3A_1068 = arith.constant 2 : i32
      %xor3A_1069 = vector.broadcast %xor3A_1068 : i32 to vector<16xi32>
      %xor3A_1070 = arith.xori %iota3A_1039, %xor3A_1069 : vector<16xi32>
      %lt3A_1071 = arith.constant 0 : i32
      %lt3A_1072 = vector.broadcast %lt3A_1071 : i32 to vector<16xi32>
      %lt3A_1073 = arith.cmpi slt, %xor3A_1070, %lt3A_1072 : vector<16xi32>
      %add3A_1074 = arith.constant 16 : i32
      %add3A_1075 = vector.broadcast %add3A_1074 : i32 to vector<16xi32>
      %add3A_1076 = arith.addi %xor3A_1070, %add3A_1075 : vector<16xi32>
      %select_n3A_1077 = arith.select %lt3A_1073, %add3A_1076, %xor3A_1070 : vector<16xi1>, vector<16xi32>
      %broadcast_in_dim3A_1078 = vector.shape_cast %select_n3A_1077 : vector<16xi32> to vector<16x1xi32>
      %gather3A_1079 = vector.shape_cast %broadcast_in_dim3A_1078 : vector<16x1xi32> to vector<16xi32>
      %gather3A_1080 = tpu.dynamic_gather %min3A_1067[%gather3A_1079] in [0] : vector<16xi32>, vector<16xi32> -> vector<16xi32>
      %min3A_1081 = arith.minsi %min3A_1067, %gather3A_1080 : vector<16xi32>
      %xor3A_1082 = arith.constant 1 : i32
      %xor3A_1083 = vector.broadcast %xor3A_1082 : i32 to vector<16xi32>
      %xor3A_1084 = arith.xori %iota3A_1039, %xor3A_1083 : vector<16xi32>
      %lt3A_1085 = arith.constant 0 : i32
      %lt3A_1086 = vector.broadcast %lt3A_1085 : i32 to vector<16xi32>
      %lt3A_1087 = arith.cmpi slt, %xor3A_1084, %lt3A_1086 : vector<16xi32>
      %add3A_1088 = arith.constant 16 : i32
      %add3A_1089 = vector.broadcast %add3A_1088 : i32 to vector<16xi32>
      %add3A_1090 = arith.addi %xor3A_1084, %add3A_1089 : vector<16xi32>
      %select_n3A_1091 = arith.select %lt3A_1087, %add3A_1090, %xor3A_1084 : vector<16xi1>, vector<16xi32>
      %broadcast_in_dim3A_1092 = vector.shape_cast %select_n3A_1091 : vector<16xi32> to vector<16x1xi32>
      %gather3A_1093 = vector.shape_cast %broadcast_in_dim3A_1092 : vector<16x1xi32> to vector<16xi32>
      %gather3A_1094 = tpu.dynamic_gather %min3A_1081[%gather3A_1093] in [0] : vector<16xi32>, vector<16xi32> -> vector<16xi32>
      %min3A_1095 = arith.minsi %min3A_1081, %gather3A_1094 : vector<16xi32>
      %sub3A_1096 = arith.subf %max3A_1034, %max3A_912 : vector<16xf32>
      %exp3A_1097 = math.exp %sub3A_1096 : vector<16xf32>
      %eq3A_1098 = arith.cmpi eq, %iota3A, %min3A_973 : vector<16xi32>
      %add3A_1099 = arith.constant 1.000000e+00 : f32
      %add3A_1100 = vector.broadcast %add3A_1099 : f32 to vector<16xf32>
      %add3A_1101 = arith.addf %add3A_1100, %exp3A_1097 : vector<16xf32>
      %div3A_1102 = arith.constant 1.000000e+00 : f32
      %div3A_1103 = vector.broadcast %div3A_1102 : f32 to vector<16xf32>
      %div3A_1104 = arith.divf %div3A_1103, %add3A_1101 : vector<16xf32>
      %jit3A_1105 = arith.constant 0.000000e+00 : f32
      %broadcast_in_dim3A_1106 = vector.broadcast %jit3A_1105 : f32 to vector<16xf32>
      %select_n3A_1107 = arith.select %eq3A_1098, %div3A_1104, %broadcast_in_dim3A_1106 : vector<16xi1>, vector<16xf32>
      %eq3A_1108 = arith.cmpi eq, %iota3A, %min3A_1095 : vector<16xi32>
      %mul3A_1109 = arith.constant 1.000000e+00 : f32
      %mul3A_1110 = vector.broadcast %mul3A_1109 : f32 to vector<16xf32>
      %mul3A_1111 = arith.mulf %mul3A_1110, %exp3A_1097 : vector<16xf32>
      %add3A_1112 = arith.constant 1.000000e+00 : f32
      %add3A_1113 = vector.broadcast %add3A_1112 : f32 to vector<16xf32>
      %add3A_1114 = arith.addf %add3A_1113, %exp3A_1097 : vector<16xf32>
      %div3A_1115 = arith.divf %mul3A_1111, %add3A_1114 : vector<16xf32>
      %jit3A_1116 = arith.constant 0.000000e+00 : f32
      %broadcast_in_dim3A_1117 = vector.broadcast %jit3A_1116 : f32 to vector<16xf32>
      %select_n3A_1118 = arith.select %eq3A_1108, %div3A_1115, %broadcast_in_dim3A_1117 : vector<16xi1>, vector<16xf32>
      %add3A_1119 = arith.addf %select_n3A_1107, %select_n3A_1118 : vector<16xf32>
      %swap3A_1120 = arith.constant 3 : i32
      %swap3A_1121 = arith.index_cast %swap3A_1120 : i32 to index
      %swap3A_1122 = arith.constant 0 : index
      %swap3A_1123 = tpu.vector_load %arg7[%swap3A_1121, %swap3A_1122] {strides = array<i32>} : memref<4x16xf32, #tpu.memory_space<vmem>>, vector<1x16xf32>,
      %swap3A_1124 = vector.shape_cast %swap3A_1123 : vector<1x16xf32> to vector<16xf32>
      %swap3A_1125 = vector.shape_cast %add3A_1119 : vector<16xf32> to vector<1x16xf32>
      tpu.vector_store %arg7[%swap3A_1121, %swap3A_1122], %swap3A_1125 {strides = array<i32>} : memref<4x16xf32, #tpu.memory_space<vmem>>, vector<1x16xf32>,
      "tpu.region"() ({
        %run_scoped3A = tpu.sem_alloc : memref<!tpu.dma_semaphore, #tpu.memory_space<semaphore_mem>>
        tpu.enqueue_dma source(%arg7 : memref<4x16xf32, #tpu.memory_space<vmem>>) target(%arg4 : memref<4x16xf32, #tpu.memory_space<hbm>>) target_semaphore(%run_scoped3A : memref<!tpu.dma_semaphore, #tpu.memory_space<semaphore_mem>>)
        tpu.wait_dma2 semaphore(%run_scoped3A : memref<!tpu.dma_semaphore, #tpu.memory_space<semaphore_mem>>) src(%arg7 : memref<4x16xf32, #tpu.memory_space<vmem>>) dst(%arg4 : memref<4x16xf32, #tpu.memory_space<hbm>>)
        tpu.yield
      }) : () -> ()
    } else {
    }
    return
  }
}

module attributes {stable_mosaic.version = 14 : i64} {
  func.func @_pass_a_body(%arg0: i32, %arg1: i32, %arg2: memref<1x1024x2048xf32, #tpu.memory_space<vmem>>, %arg3: memref<256x2048xbf16, #tpu.memory_space<vmem>>, %arg4: memref<1x1024x256xbf16, #tpu.memory_space<vmem>>, %arg5: memref<1x1x16xf32, #tpu.memory_space<vmem>>) attributes {dimension_semantics = [#tpu.dimension_semantics<arbitrary>, #tpu.dimension_semantics<arbitrary>], iteration_bounds = array<i64: 4, 2>, scalar_prefetch = 0 : i64, scratch_operands = 0 : i64, tpu.core_type = #tpu.core_type<tc>, window_params = [{transform_indices = @transform_0, window_bounds = array<i64: 1, 1024, 2048>}, {pipeline_mode = #tpu.pipeline_mode<synchronous>, transform_indices = @transform_1, window_bounds = array<i64: 256, 2048>}, {transform_indices = @transform_2, window_bounds = array<i64: 1, 1024, 256>}, {transform_indices = @transform_3, window_bounds = array<i64: 1, 1, 16>}]} {
    %get3A = arith.constant 0 : index
    %get3A_0 = arith.constant 0 : index
    %get3A_1 = arith.constant 0 : index
    %get3A_2 = vector.load %arg2[%get3A, %get3A_0, %get3A_1] : memref<1x1024x2048xf32, #tpu.memory_space<vmem>>, vector<1x1024x2048xf32>
    %get3A_3 = vector.shape_cast %get3A_2 : vector<1x1024x2048xf32> to vector<1024x2048xf32>
    %convert_element_type3A = arith.truncf %get3A_3 : vector<1024x2048xf32> to vector<1024x2048xbf16>
    %get3A_4 = arith.constant 0 : index
    %get3A_5 = arith.constant 0 : index
    %get3A_6 = vector.load %arg3[%get3A_4, %get3A_5] : memref<256x2048xbf16, #tpu.memory_space<vmem>>, vector<256x2048xbf16>
    %dot_general3A = arith.constant dense<0.000000e+00> : vector<1024x256xf32>
    %dot_general3A_7 = tpu.matmul %convert_element_type3A, %get3A_6, %dot_general3A {dimension_numbers = #tpu.dot_dimension_numbers<[1], [1], [0], [0], [0, 0, 1, 0], [], []>, transpose_lhs_hint = false} : vector<1024x2048xbf16>, vector<256x2048xbf16>, vector<1024x256xf32> -> vector<1024x256xf32>
    %convert_element_type3A_8 = arith.truncf %dot_general3A_7 : vector<1024x256xf32> to vector<1024x256xbf16>
    %swap3A = arith.constant 0 : index
    %swap3A_9 = arith.constant 0 : index
    %swap3A_10 = arith.constant 0 : index
    %swap3A_11 = vector.load %arg4[%swap3A, %swap3A_9, %swap3A_10] : memref<1x1024x256xbf16, #tpu.memory_space<vmem>>, vector<1x1024x256xbf16>
    %swap3A_12 = vector.shape_cast %swap3A_11 : vector<1x1024x256xbf16> to vector<1024x256xbf16>
    %swap3A_13 = vector.shape_cast %convert_element_type3A_8 : vector<1024x256xbf16> to vector<1x1024x256xbf16>
    tpu.vector_store %arg4[%swap3A, %swap3A_9, %swap3A_10], %swap3A_13 {strides = array<i32>} : memref<1x1024x256xbf16, #tpu.memory_space<vmem>>, vector<1x1024x256xbf16>,
    %slice3A = vector.extract_strided_slice %dot_general3A_7 {offsets = [0, 128], sizes = [1024, 16], strides = [1, 1]} : vector<1024x256xf32> to vector<1024x16xf32>
    %reduce_sum3A = arith.constant dense<0.000000e+00> : vector<16xf32>
    %reduce_sum3A_14 = vector.multi_reduction <add>, %slice3A, %reduce_sum3A [0] : vector<1024x16xf32> to vector<16xf32>
    %broadcast_in_dim3A = vector.shape_cast %reduce_sum3A_14 : vector<16xf32> to vector<1x16xf32>
    %eq3A = arith.constant 0 : i32
    %eq3A_15 = arith.cmpi eq, %arg1, %eq3A : i32
    %convert_element_type3A_16 = arith.extui %eq3A_15 : i1 to i32
    %cond3A = arith.constant 0 : i32
    %cond3A_17 = arith.cmpi ne, %convert_element_type3A_16, %cond3A : i32
    scf.if %cond3A_17 {
      %swap3A_22 = arith.constant 0 : index
      %swap3A_23 = arith.constant 0 : index
      %swap3A_24 = arith.constant 0 : index
      %swap3A_25 = vector.load %arg5[%swap3A_22, %swap3A_23, %swap3A_24] : memref<1x1x16xf32, #tpu.memory_space<vmem>>, vector<1x1x16xf32>
      %swap3A_26 = vector.shape_cast %swap3A_25 : vector<1x1x16xf32> to vector<1x16xf32>
      %swap3A_27 = vector.shape_cast %broadcast_in_dim3A : vector<1x16xf32> to vector<1x1x16xf32>
      tpu.vector_store %arg5[%swap3A_22, %swap3A_23, %swap3A_24], %swap3A_27 {strides = array<i32>} : memref<1x1x16xf32, #tpu.memory_space<vmem>>, vector<1x1x16xf32>,
    } else {
    }
    %ne3A = arith.constant 0 : i32
    %ne3A_18 = arith.cmpi ne, %arg1, %ne3A : i32
    %convert_element_type3A_19 = arith.extui %ne3A_18 : i1 to i32
    %cond3A_20 = arith.constant 0 : i32
    %cond3A_21 = arith.cmpi ne, %convert_element_type3A_19, %cond3A_20 : i32
    scf.if %cond3A_21 {
      %get3A_22 = arith.constant 0 : index
      %get3A_23 = arith.constant 0 : index
      %get3A_24 = arith.constant 0 : index
      %get3A_25 = vector.load %arg5[%get3A_22, %get3A_23, %get3A_24] : memref<1x1x16xf32, #tpu.memory_space<vmem>>, vector<1x1x16xf32>
      %get3A_26 = vector.shape_cast %get3A_25 : vector<1x1x16xf32> to vector<1x16xf32>
      %add3A = arith.addf %get3A_26, %broadcast_in_dim3A : vector<1x16xf32>
      %swap3A_27 = arith.constant 0 : index
      %swap3A_28 = arith.constant 0 : index
      %swap3A_29 = arith.constant 0 : index
      %swap3A_30 = vector.load %arg5[%swap3A_27, %swap3A_28, %swap3A_29] : memref<1x1x16xf32, #tpu.memory_space<vmem>>, vector<1x1x16xf32>
      %swap3A_31 = vector.shape_cast %swap3A_30 : vector<1x1x16xf32> to vector<1x16xf32>
      %swap3A_32 = vector.shape_cast %add3A : vector<1x16xf32> to vector<1x1x16xf32>
      tpu.vector_store %arg5[%swap3A_27, %swap3A_28, %swap3A_29], %swap3A_32 {strides = array<i32>} : memref<1x1x16xf32, #tpu.memory_space<vmem>>, vector<1x1x16xf32>,
    } else {
    }
    return
  }
  func.func @transform_0(%arg0: i32, %arg1: i32) -> (i32, i32, i32) {
    %c0_i32 = arith.constant 0 : i32
    %c0_i32_0 = arith.constant 0 : i32
    return %arg0, %arg1, %c0_i32 : i32, i32, i32
  }
  func.func @transform_1(%arg0: i32, %arg1: i32) -> (i32, i32) {
    %c0_i32 = arith.constant 0 : i32
    %c0_i32_0 = arith.constant 0 : i32
    %c0_i32_1 = arith.constant 0 : i32
    return %c0_i32, %c0_i32_0 : i32, i32
  }
  func.func @transform_2(%arg0: i32, %arg1: i32) -> (i32, i32, i32) {
    %c0_i32 = arith.constant 0 : i32
    %c0_i32_0 = arith.constant 0 : i32
    return %arg0, %arg1, %c0_i32 : i32, i32, i32
  }
  func.func @transform_3(%arg0: i32, %arg1: i32) -> (i32, i32, i32) {
    %c0_i32 = arith.constant 0 : i32
    %c0_i32_0 = arith.constant 0 : i32
    %c0_i32_1 = arith.constant 0 : i32
    return %arg0, %c0_i32, %c0_i32_0 : i32, i32, i32
  }
}

module attributes {stable_mosaic.version = 14 : i64} {
  func.func @_pass_b_body(%arg0: i32, %arg1: i32, %arg2: memref<1x1024x256xbf16, #tpu.memory_space<vmem>>, %arg3: memref<1x1x16xf32, #tpu.memory_space<vmem>>, %arg4: memref<256x2048xf32, #tpu.memory_space<vmem>>, %arg5: memref<1x1024x2048xf32, #tpu.memory_space<vmem>>, %arg6: memref<256x2048xbf16, #tpu.memory_space<vmem>>) attributes {dimension_semantics = [#tpu.dimension_semantics<arbitrary>, #tpu.dimension_semantics<arbitrary>], iteration_bounds = array<i64: 4, 2>, scalar_prefetch = 0 : i64, scratch_operands = 1 : i64, tpu.core_type = #tpu.core_type<tc>, window_params = [{transform_indices = @transform_0, window_bounds = array<i64: 1, 1024, 256>}, {transform_indices = @transform_1, window_bounds = array<i64: 1, 1, 16>}, {pipeline_mode = #tpu.pipeline_mode<synchronous>, transform_indices = @transform_2, window_bounds = array<i64: 256, 2048>}, {transform_indices = @transform_3, window_bounds = array<i64: 1, 1024, 2048>}]} {
    %eq3A = arith.constant 0 : i32
    %eq3A_0 = arith.cmpi eq, %arg1, %eq3A : i32
    %convert_element_type3A = arith.extui %eq3A_0 : i1 to i32
    %cond3A = arith.constant 0 : i32
    %cond3A_1 = arith.cmpi ne, %convert_element_type3A, %cond3A : i32
    scf.if %cond3A_1 {
      %iota3A = tpu.iota {dimensions = array<i32: 0>} : vector<256x16xi32>
      %jit3A = arith.constant 16 : i32
      %div3A = vector.broadcast %jit3A : i32 to vector<256x16xi32>
      %div3A_15 = arith.divsi %iota3A, %div3A : vector<256x16xi32>
      %sign3A = arith.constant 0 : i32
      %sign3A_16 = vector.broadcast %sign3A : i32 to vector<256x16xi32>
      %sign3A_17 = arith.cmpi sgt, %iota3A, %sign3A_16 : vector<256x16xi32>
      %sign3A_18 = arith.extui %sign3A_17 : vector<256x16xi1> to vector<256x16xi32>
      %sign3A_19 = arith.constant 0 : i32
      %sign3A_20 = vector.broadcast %sign3A_19 : i32 to vector<256x16xi32>
      %sign3A_21 = arith.cmpi slt, %iota3A, %sign3A_20 : vector<256x16xi32>
      %sign3A_22 = arith.extui %sign3A_21 : vector<256x16xi1> to vector<256x16xi32>
      %sign3A_23 = arith.subi %sign3A_18, %sign3A_22 : vector<256x16xi32>
      %sign3A_24 = arith.constant 0 : i32
      %sign3A_25 = arith.cmpi sgt, %jit3A, %sign3A_24 : i32
      %sign3A_26 = arith.extui %sign3A_25 : i1 to i32
      %sign3A_27 = arith.constant 0 : i32
      %sign3A_28 = arith.cmpi slt, %jit3A, %sign3A_27 : i32
      %sign3A_29 = arith.extui %sign3A_28 : i1 to i32
      %sign3A_30 = arith.subi %sign3A_26, %sign3A_29 : i32
      %ne3A = vector.broadcast %sign3A_30 : i32 to vector<256x16xi32>
      %ne3A_31 = arith.cmpi ne, %sign3A_23, %ne3A : vector<256x16xi32>
      %rem3A = vector.broadcast %jit3A : i32 to vector<256x16xi32>
      %rem3A_32 = arith.remsi %iota3A, %rem3A : vector<256x16xi32>
      %ne3A_33 = arith.constant 0 : i32
      %ne3A_34 = vector.broadcast %ne3A_33 : i32 to vector<256x16xi32>
      %ne3A_35 = arith.cmpi ne, %rem3A_32, %ne3A_34 : vector<256x16xi32>
      %and3A = arith.andi %ne3A_31, %ne3A_35 : vector<256x16xi1>
      %sub3A = arith.constant 1 : i32
      %sub3A_36 = vector.broadcast %sub3A : i32 to vector<256x16xi32>
      %sub3A_37 = arith.subi %div3A_15, %sub3A_36 : vector<256x16xi32>
      %select_n3A = arith.select %and3A, %sub3A_37, %div3A_15 : vector<256x16xi1>, vector<256x16xi32>
      %iota3A_38 = tpu.iota {dimensions = array<i32: 1>} : vector<256x16xi32>
      %eq3A_39 = arith.cmpi eq, %select_n3A, %iota3A_38 : vector<256x16xi32>
      %get3A_40 = arith.constant 0 : index
      %get3A_41 = arith.constant 0 : index
      %get3A_42 = arith.constant 0 : index
      %get3A_43 = vector.load %arg3[%get3A_40, %get3A_41, %get3A_42] : memref<1x1x16xf32, #tpu.memory_space<vmem>>, vector<1x1x16xf32>
      %get3A_44 = vector.shape_cast %get3A_43 : vector<1x1x16xf32> to vector<1x16xf32>
      %jit3A_45 = arith.constant 0.000000e+00 : f32
      %broadcast_in_dim3A = vector.shape_cast %get3A_44 : vector<1x16xf32> to vector<1x16xf32>
      %broadcast_in_dim3A_46 = vector.broadcast %broadcast_in_dim3A : vector<1x16xf32> to vector<256x16xf32>
      %broadcast_in_dim3A_47 = vector.broadcast %jit3A_45 : f32 to vector<256x16xf32>
      %select_n3A_48 = arith.select %eq3A_39, %broadcast_in_dim3A_46, %broadcast_in_dim3A_47 : vector<256x16xi1>, vector<256x16xf32>
      %reduce_sum3A = arith.constant dense<0.000000e+00> : vector<256xf32>
      %reduce_sum3A_49 = vector.multi_reduction <add>, %select_n3A_48, %reduce_sum3A [1] : vector<256x16xf32> to vector<256xf32>
      %broadcast_in_dim3A_50 = vector.shape_cast %reduce_sum3A_49 : vector<256xf32> to vector<256x1xf32>
      %get3A_51 = arith.constant 0 : index
      %get3A_52 = arith.constant 0 : index
      %get3A_53 = vector.load %arg4[%get3A_51, %get3A_52] : memref<256x2048xf32, #tpu.memory_space<vmem>>, vector<256x2048xf32>
      %mul3A = vector.broadcast %broadcast_in_dim3A_50 : vector<256x1xf32> to vector<256x2048xf32>
      %mul3A_54 = arith.mulf %get3A_53, %mul3A : vector<256x2048xf32>
      %convert_element_type3A_55 = arith.truncf %mul3A_54 : vector<256x2048xf32> to vector<256x2048xbf16>
      %swap3A_56 = arith.constant 0 : index
      %swap3A_57 = arith.constant 0 : index
      %swap3A_58 = vector.load %arg6[%swap3A_56, %swap3A_57] : memref<256x2048xbf16, #tpu.memory_space<vmem>>, vector<256x2048xbf16>
      tpu.vector_store %arg6[%swap3A_56, %swap3A_57], %convert_element_type3A_55 {strides = array<i32>} : memref<256x2048xbf16, #tpu.memory_space<vmem>>, vector<256x2048xbf16>,
    } else {
    }
    %get3A = arith.constant 0 : index
    %get3A_2 = arith.constant 0 : index
    %get3A_3 = arith.constant 0 : index
    %get3A_4 = vector.load %arg2[%get3A, %get3A_2, %get3A_3] : memref<1x1024x256xbf16, #tpu.memory_space<vmem>>, vector<1x1024x256xbf16>
    %get3A_5 = vector.shape_cast %get3A_4 : vector<1x1024x256xbf16> to vector<1024x256xbf16>
    %get3A_6 = arith.constant 0 : index
    %get3A_7 = arith.constant 0 : index
    %get3A_8 = vector.load %arg6[%get3A_6, %get3A_7] : memref<256x2048xbf16, #tpu.memory_space<vmem>>, vector<256x2048xbf16>
    %dot_general3A = arith.constant dense<0.000000e+00> : vector<1024x2048xf32>
    %dot_general3A_9 = tpu.matmul %get3A_5, %get3A_8, %dot_general3A {dimension_numbers = #tpu.dot_dimension_numbers<[1], [0], [0], [1], [0, 0, 1, 1], [], []>, transpose_lhs_hint = false} : vector<1024x256xbf16>, vector<256x2048xbf16>, vector<1024x2048xf32> -> vector<1024x2048xf32>
    %swap3A = arith.constant 0 : index
    %swap3A_10 = arith.constant 0 : index
    %swap3A_11 = arith.constant 0 : index
    %swap3A_12 = vector.load %arg5[%swap3A, %swap3A_10, %swap3A_11] : memref<1x1024x2048xf32, #tpu.memory_space<vmem>>, vector<1x1024x2048xf32>
    %swap3A_13 = vector.shape_cast %swap3A_12 : vector<1x1024x2048xf32> to vector<1024x2048xf32>
    %swap3A_14 = vector.shape_cast %dot_general3A_9 : vector<1024x2048xf32> to vector<1x1024x2048xf32>
    tpu.vector_store %arg5[%swap3A, %swap3A_10, %swap3A_11], %swap3A_14 {strides = array<i32>} : memref<1x1024x2048xf32, #tpu.memory_space<vmem>>, vector<1x1024x2048xf32>,
    return
  }
  func.func @transform_0(%arg0: i32, %arg1: i32) -> (i32, i32, i32) {
    %c0_i32 = arith.constant 0 : i32
    %c0_i32_0 = arith.constant 0 : i32
    return %arg0, %arg1, %c0_i32 : i32, i32, i32
  }
  func.func @transform_1(%arg0: i32, %arg1: i32) -> (i32, i32, i32) {
    %c0_i32 = arith.constant 0 : i32
    %c0_i32_0 = arith.constant 0 : i32
    %c0_i32_1 = arith.constant 0 : i32
    return %arg0, %c0_i32, %c0_i32_0 : i32, i32, i32
  }
  func.func @transform_2(%arg0: i32, %arg1: i32) -> (i32, i32) {
    %c0_i32 = arith.constant 0 : i32
    %c0_i32_0 = arith.constant 0 : i32
    %c0_i32_1 = arith.constant 0 : i32
    return %c0_i32, %c0_i32_0 : i32, i32
  }
  func.func @transform_3(%arg0: i32, %arg1: i32) -> (i32, i32, i32) {
    %c0_i32 = arith.constant 0 : i32
    %c0_i32_0 = arith.constant 0 : i32
    return %arg0, %arg1, %c0_i32 : i32, i32, i32
  }
}

</mosaic_0001>

<sc_bundles>
// kernel: kernel.5.cloned.1.call-start
scs
__scs_entry_jumppad:
0x0: {  	(pc) =	sbr.rel $0x88, $3  }
0x1: {  	(tag) =	ssettag $0x0;
	lr =	simm.s32 $0x1  }
0x2: {  	[smem:$0x3F99] =	sst lr;
	_ =	strace $0xD0000000  }
0x3: {  	_ = 	snop  }
0x4: {  	_ = 	snop  }
0x5: {  	_ = 	snop  }
0x6: {  	_ = 	snop  }
0x7: {  	_ = 	snop  }
__scs_overlays_trampoline_lowered:
0x8: {  	[smem:$0x3FA8] =	sst s0  }
0x9: {  	[smem:$0x3FA9] =	sst s1  }
0xa: {  	[smem:$0x3FAA] =	sst s2  }
0xb: {  	[smem:$0x3FAB] =	sst s3  }
0xc: {  	[smem:$0x3FAC] =	sst s4  }
0xd: {  	[smem:$0x3FAD] =	sst s5  }
0xe: {  	[smem:$0x3FAE] =	sst s6  }
0xf: {  	[smem:$0x3FAF] =	sst s7  }
0x10: {  	[smem:$0x3FB0] =	sst s8  }
0x11: {  	[smem:$0x3FB1] =	sst s9;
	s0 =	simm.s32 @!p0 $0x0  }
0x12: {  	s1 =	sld [smem:$0x3F97];
	s0 =	simm.s32 @p0 $0x1  }
0x13: {  	[smem:$0x3FB2] =	sst s0;
	s0 =	simm.s32 @!p1 $0x0  }
0x14: {  	s2 =	sld [smem:$0x3F96];
	s0 =	simm.s32 @p1 $0x1  }
0x15: {  	[smem:$0x3FB3] =	sst s0;
	s0 =	simm.s32 @!p2 $0x0  }
0x16: {  	s3 =	sld [smem:$0x3FDB];
	s0 =	simm.s32 @p2 $0x1  }
0x17: {  	s4 =	simm.s32 $0x1BF5;
	[smem:$0x3FB5] =	sst s0  }
0x18: {  	s0 =	sld [smem:$0x3F98];
	_ =	swait.ge [sflag:s4], $0x0  }
0x19: {  	s7 =	sld [smem:$0x3F99]  }
0x1a: {  	s8 =	sadd.s32 $0xFFFFE003, lr  }
0x1b: {  	s9 =	sadd.s32 $0xFFFFFEF7, lr;
	s5 =	simm.s32 $0xFFFFFFFF;
	p2 =	slt.u32 s8, $0xFFFFF086  }
0x1c: {  	p1 =	slt.u32 s9, $0xF7A;
	s5 =	simm.s32 @!p2 $0x0  }
0x1d: {  	s5 =	simm.s32 @p1 $0x1;
	p0 =	seq.s32 s7, s2  }
0x1e: {  	s7 =	smul.u32 @!p0 $0xF7A, s2;
	p2 =	seq.s32 @!p0 s5, $0x0  }
0x1f: {  	s9 =	smul.u32 $0xF7A, s1;
	s8 =	simm.s32 @!p0 $0x1BF5;
	p2 =	por !p2, p0  }
0x20: {  	[sflag:s8] =	ssyncset.s32 @!p0 $0xFFFFF086;
	s6 =	sadd.s32 @!p0 s3, s7;
	s7 =	simm.s32 @!p0 $0x108  }
0x21: {  	s3 =	sadd.s32 s3, s9;
	s6 =	sadd.s32 @!p0 $0x88, s6;
	s7 =	simm.s32 @p2 $0x1082  }
0x22: {  	[simem:s7], [sflag:s8] =	dma.local @!p0 [hbm:s6], $0xF7A  }
0x23: {  	s9 =	sor.u32 $0xD0000000, s2;
	s6 =	simm.s32 $0x108;
	_ =	swait.ge @!p0 [sflag:s8], $0x0  }
0x24: {  	s3 =	sadd.s32 $0x88, s3;
	s6 =	simm.s32 @!p1 $0x1082;
	[sflag:s4] =	ssyncset.s32 $0xFFFFF086  }
0x25: {  	[simem:s6], [sflag:s4] =	dma.local [hbm:s3], $0xF7A  }
0x26: {  	[smem:$0x3F99] =	sst s1;
	(tag) =	ssettag s2;
	_ =	strace s9  }
0x27: {  	s1 =	sld [smem:$0x3FA9]  }
0x28: {  	s2 =	sld [smem:$0x3FAA]  }
0x29: {  	s4 =	sld [smem:$0x3FAC]  }
0x2a: {  	p0 =	seq.s32 s5, $0x0;
	s5 =	sld [smem:$0x3FAD]  }
0x2b: {  	s6 =	sld [smem:$0x3FAE]  }
0x2c: {  	s7 =	sld [smem:$0x3FAF]  }
0x2d: {  	s3 =	simm.s32 $0x108;
	s8 =	sld [smem:$0x3FB0]  }
0x2e: {  	s3 =	simm.s32 @!p0 $0x1082;
	s9 =	sld [smem:$0x3FB1]  }
0x2f: {  	lr =	sadd.s32 s0, s3;
	s0 =	sld [smem:$0x3FA8]  }
0x30: {  	s3 =	sld [smem:$0x3FAB]  }
0x31: {  	[smem:$0x3FB4] =	sst s10  }
0x32: {  	s10 =	sld [smem:$0x3FB2];
	_ =	sdelay $0x3  }
0x33: {  	p0 =	seq.s32 s10, $0x1;
	s10 =	sld [smem:$0x3FB4];
	_ =	sdelay $0x3  }
0x34: {  	[smem:$0x3FB4] =	sst s10  }
0x35: {  	s10 =	sld [smem:$0x3FB3];
	_ =	sdelay $0x3  }
0x36: {  	p1 =	seq.s32 s10, $0x1;
	s10 =	sld [smem:$0x3FB4];
	_ =	sdelay $0x3  }
0x37: {  	[smem:$0x3FB4] =	sst s10  }
0x38: {  	s10 =	sld [smem:$0x3FB5]  }
0x39: {  	_ = 	snop;
	(pc) =	sbr.ind lr, $3  }
0x3a: {  	_ = 	snop  }
0x3b: {  	_ = 	snop  }
0x3c: {  	p2 =	seq.s32 s10, $0x1;
	s10 =	sld [smem:$0x3FB4]  }
0x3d: {  	_ =	shalt  }
0x3e: {  	_ =	shalt  }
0x3f: {  	_ =	shalt  }
0x40: {  	_ =	shalt  }
0x41: {  	_ =	shalt  }
0x42: {  	_ =	shalt  }
0x43: {  	_ =	shalt  }
0x44: {  	_ =	shalt  }
0x45: {  	_ =	shalt  }
0x46: {  	_ =	shalt  }
0x47: {  	_ =	shalt  }
0x48: {  	_ =	shalt  }
0x49: {  	_ =	shalt  }
0x4a: {  	_ =	shalt  }
0x4b: {  	_ =	shalt  }
0x4c: {  	_ =	shalt  }
0x4d: {  	_ =	shalt  }
0x4e: {  	_ =	shalt  }
0x4f: {  	_ =	shalt  }
0x50: {  	_ =	shalt  }
0x51: {  	_ =	shalt  }
0x52: {  	_ =	shalt  }
0x53: {  	_ =	shalt  }
0x54: {  	_ =	shalt  }
0x55: {  	_ =	shalt  }
0x56: {  	_ =	shalt  }
0x57: {  	_ =	shalt  }
0x58: {  	_ =	shalt  }
0x59: {  	_ =	shalt  }
0x5a: {  	_ =	shalt  }
0x5b: {  	_ =	shalt  }
0x5c: {  	_ =	shalt  }
0x5d: {  	_ =	shalt  }
0x5e: {  	_ =	shalt  }
0x5f: {  	_ =	shalt  }
0x60: {  	_ =	shalt  }
0x61: {  	_ =	shalt  }
0x62: {  	_ =	shalt  }
0x63: {  	_ =	shalt  }
0x64: {  	_ =	shalt  }
0x65: {  	_ =	shalt  }
0x66: {  	_ =	shalt  }
0x67: {  	_ =	shalt  }
0x68: {  	_ =	shalt  }
0x69: {  	_ =	shalt  }
0x6a: {  	_ =	shalt  }
0x6b: {  	_ =	shalt  }
0x6c: {  	_ =	shalt  }
0x6d: {  	_ =	shalt  }
0x6e: {  	_ =	shalt  }
0x6f: {  	_ =	shalt  }
0x70: {  	_ =	shalt  }
0x71: {  	_ =	shalt  }
0x72: {  	_ =	shalt  }
0x73: {  	_ =	shalt  }
0x74: {  	_ =	shalt  }
0x75: {  	_ =	shalt  }
0x76: {  	_ =	shalt  }
0x77: {  	_ =	shalt  }
0x78: {  	_ =	shalt  }
0x79: {  	_ =	shalt  }
0x7a: {  	_ =	shalt  }
0x7b: {  	_ =	shalt  }
0x7c: {  	_ =	shalt  }
0x7d: {  	_ =	shalt  }
0x7e: {  	_ =	shalt  }
0x7f: {  	_ =	shalt  }
0x80: {  	_ =	shalt  }
0x81: {  	_ =	shalt  }
0x82: {  	_ =	shalt  }
0x83: {  	_ =	shalt  }
0x84: {  	_ =	shalt  }
0x85: {  	_ =	shalt  }
0x86: {  	_ =	shalt  }
0x87: {  	_ =	shalt  }
.Lfunc_end0:
.L_simem_size_0:
called_computation_lowered:
.L_overlay_start_0:
0x88: {  	s2 =	sld [smem:$0x3FD9]  }
0x89: {  	s3 =	sld [smem:$0x3FFE];
	_ =	sdelay $0x1  }
0x8a: {  	s1 =	srdreg.scid  }
0x8b: {  	s0 =	sand.u32 $0x1, s1  }
0x8c: {  	s17 =	sshll.u32 s0, $0xA;
	s2 =	sadd.s32 s3, s2  }
0x8d: {  	s2 =	sadd.s32 s2, s17  }
0x8e: {  	[smem:$0x3FC0] =	sst s2  }
0x8f: {  	_ = 	snop  }
0x90: {  	s2 =	sld [smem:$0x3FD0];
	(tm) =	ssettm $0x1  }
0x91: {  	s18 =	sld [smem:$0x3FFB];
	_ =	sdelay $0x3  }
0x92: {  	_ =	strace s18  }
0x93: {  	s3 =	sld [smem:$0x3FFC];
	_ =	sdelay $0x3  }
0x94: {  	_ =	strace s3  }
0x95: {  	s3 =	sld [smem:$0x3FFD];
	_ =	sdelay $0x3  }
0x96: {  	_ =	strace s3  }
0x97: {  	_ =	strace $0x8FFFFFFF  }
0x98: {  	s19 =	sld [smem:$0x3FDB];
	_ =	sdelay $0x1  }
0x99: {  	s4 =	simm.s32 $_scs_section_size  }
0x9a: {  	s5 =	simm.s32 $_size__tile_overlayer_lowered;
	s6 =	simm.s32 $_tile_overlayer_lowered  }
0x9b: {  	s22 =	simm.s32 $0x1BFF;
	s21 =	sshll.u32 s6, $0x1;
	s3 =	sadd.s32 s4, s19  }
0x9c: {  	s7 =	simm.s32 $0x0;
	s20 =	sshll.u32 s5, $0x1;
	s5 =	sadd.s32 s21, s3  }
0x9d: {  	[timem:s7], [sflag:s22] =	dma.local [hbm:s5], s20  }
0x9e: {  	_ =	swait.ge [sflag:s22], s20  }
0x9f: {  	s4 =	ssub.s32 $0x0, s20;
	[sflag:s22] =	ssyncset.done $0x0  }
0xa0: {  	[sflag:s22] =	ssyncadd.s32 s4;
	_ =	sdelay $0x1  }
0xa1: {  	s23 =	simm.s32 $0x1B8B  }
0xa2: {  	_ =	swait.ge [sflag:s23], $0x1  }
0xa3: {  	[sflag:s23] =	ssyncset.done $0x0  }
0xa4: {  	s25 =	simm.s32 $0x1B8E;
	s24 =	sld [smem:$0x3FFE];
	[sflag:s23] =	ssyncadd.s32 $0xFFFFFFFF  }
0xa5: {  	s26 =	simm.s32 $execute0_lowered;
	[smem:$0x3FD2] =	sst s25  }
0xa6: {  	s5 =	sshll.u32 s26, $0x1;
	_ =	strace $0x80000046;
	[dreg:$0x1] =	wrdreg $0xFFFFFFFF  }
0xa7: {  	s28 =	simm.s32 $_size_execute0_lowered;
	s3 =	sadd.s32 s3, s5;
	[dreg:$0x0] =	wrdreg $0x0  }
0xa8: {  	s5 =	sshll.u32 s28, $0x1;
	[dreg:$0x2] =	wrdreg s3  }
0xa9: {  	[dreg:$0x3] =	wrdreg s5  }
0xaa: {  	[dreg:$0x4] =	wrdreg $0xC0  }
0xab: {  	_ =	task [dreg:s7], $0x5FFFF  }
0xac: {  	[dreg:$0x1] =	wrdreg $0xFFFFFFFF  }
0xad: {  	[dreg:$0x0] =	wrdreg $0x60  }
0xae: {  	[dreg:$0x2] =	wrdreg s2  }
0xaf: {  	[dreg:$0x3] =	wrdreg s24  }
0xb0: {  	[dreg:$0x4] =	wrdreg $0x9  }
0xb1: {  	_ =	task.clear_ibuf [dreg:s7], $0x5FFFF;
	_ =	strace $0x90000046  }
0xb2: {  	s29 =	simm.s32 $0x9;
	_ =	strace $0x80000048  }
0xb3: {  	_ =	swait.ge [sflag:s29], $0x1  }
0xb4: {  	[sflag:s29] =	ssyncadd.s32 $0xFFFFFFFF  }
0xb5: {  	_ =	strace $0x90000048  }
0xb6: {  	_ =	sfence  }
0xb7: {  	s30 =	sld [smem:$0x0];
	_ =	sdelay $0x2  }
0xb8: {  	s31 =	sshll.u32 s1, $0xD;
	s1 =	sshrl.u32 s1, $0x2  }
0xb9: {  	s3 =	sand.u32 $0x4000, s31;
	s1 =	sadd.s32 s1, s30  }
0xba: {  	s0 =	sor.u32 s3, s0;
	s1 =	sshll.u32 s1, $0x11  }
0xbb: {  	s0 =	sor.u32 s1, s0  }
0xbc: {  	s0 =	sadd.s32 $0x8F2B, s0  }
0xbd: {  	[sflag:s0] =	ssyncadd.remote.s32 $0x1  }
0xbe: {  	_ =	sfence.sel $0xFFFF  }
0xbf: {  	[dreg:$0x0] =	wrdreg $0xFFFFFFFF;
	(pc) =	sbr.abs _section_cstart, $3  }
0xc0: {  	[dreg:$0x1] =	wrdreg $0xFFFFFFFF  }
0xc1: {  	_ =	task.clear_ibuf [dreg:s7], $0x2FFFF;
	_ =	strace $0x9FFFFFFF  }
0xc2: {  	(tm) =	ssettm $0x7FFFFFFF  }
0xc3: {  	_ =	shalt  }
tec
execute0_lowered:
.L_overlay_start_1:
0x0: {  	(tag) =	ssettag $0x1  }
0x1: {  	s0 =	srdreg.scid  }
0x2: {  	s8 =	sand.u32 $0x1, s0;
	s0 =	stileid.u32  }
0x3: {  	s2 =	sshll.u32 s0, $0x1;
	s3 =	ssub.s32 $0x0, s8  }
0x4: {  	p0 =	sne.s32 s2, s3  }
.Ltmp0:
0x5: {  	_ = 	snop;
	(pc) =	sbr.rel @p0 .LBB2_4-.Ltmp0, $4  }
0x6: {  	_ = 	snop  }
0x7: {  	s4 =	rddreg [dreg:$0x0]  }
0x8: {  	s7 =	rddreg [dreg:$0x1]  }
0x9: {  	s1 =	rddreg [dreg:$0x2];
	_ =	strace $0x80000047  }
0xa: {  	s3 =	simm.s32 $0x0;
	s2 =	simm.s32 $0x1  }
0xb: {  	[tilespmem:s3], [sflag:$0x1] =	stream.linear.gather [hbm4b:s4+s3], $0x200, $0x38;
	[tilespmem:$0x600] =	vst v63  }
0xc: {  	_ =	swait.ge [sflag:s2], $0x200  }
0xd: {  	[sflag:s2] =	ssyncset.done $0x0  }
0xe: {  	s5 =	sadd.s32 $0x1000, s7;
	s6 =	simm.s32 $0x200;
	[sflag:s2] =	ssyncadd.s32 $0xFFFFFE00  }
0xf: {  	[tilespmem:s6], [sflag:$0x1] =	stream.linear.gather [hbm4b:s5+s3], $0x200, $0x38;
	[tilespmem:$0x600] =	vst v63  }
0x10: {  	_ =	swait.ge [sflag:s2], $0x200  }
0x11: {  	v0 =	vimm.s32 $0x76543210;
	[sflag:s2] =	ssyncset.done $0x0  }
0x12: {  	v1 =	vimm.s32 $0xFEDCBA98;
	v2 =	vimm.s32 $0xBA98FEDC;
	[sflag:s2] =	ssyncadd.s32 $0xFFFFFE00  }
0x13: {  	v3 =	vimm.s32 $0x32107654;
	v5 =	vimm.s32 $0xDCFE98BA;
	v4 =	vld [tilespmem:$0x380]  }
0x14: {  	v6 =	vimm.s32 $0x54761032;
	v1 =	vunpack.c.l.s4.s8 v1;
	v2 =	vunpack.c.l.s4.s8 v2;
	v7 =	vld [tilespmem:$0x300]  }
0x15: {  	v3 =	vunpack.c.l.s4.s8 v3;
	v5 =	vunpack.c.l.s4.s8 v5;
	v6 =	vunpack.c.l.s4.s8 v6;
	v8 =	vld [tilespmem:$0x180]  }
0x16: {  	v0 =	vunpack.c.l.s4.s8 v0;
	v1 =	vunpack.c.0.s8.s32 v1;
	v2 =	vunpack.c.0.s8.s32 v2;
	v9 =	vld [tilespmem:$0x100]  }
0x17: {  	v3 =	vunpack.c.0.s8.s32 v3;
	v5 =	vunpack.c.0.s8.s32 v5;
	v6 =	vunpack.c.0.s8.s32 v6;
	v10 =	vld [tilespmem:$0x80]  }
0x18: {  	v0 =	vunpack.c.0.s8.s32 v0;
	v11 =	vld [tilespmem:$0x0]  }
0x19: {  	v1 =	vand.u32 $0xF, v1;
	v2 =	vcombine.low v3, v2;
	v3 =	vcombine.low v6, v5;
	v5 =	vld [tilespmem:$0x280]  }
0x1a: {  	v0 =	vcombine.low v1, v0;
	v6 =	vld [tilespmem:$0x200]  }
0x1b: {  	v1 =	vand.u32 $0xF, v2;
	v2 =	vand.u32 $0xF, v3;
	v3 =	vmul.f32 $4.882812500e-04, v9  }
0x1c: {  	v9 =	vimm.s32 $0xEFCDAB89;
	v8 =	vmul.f32 $4.882812500e-04, v8;
	v10 =	vmul.f32 $4.882812500e-04, v10  }
0x1d: {  	v11 =	vmul.f32 $4.882812500e-04, v11;
	v9 =	vunpack.c.l.s4.s8 v9;
	v7 =	vadd.f32 v7, v3  }
0x1e: {  	v3 =	vimm.s32 $0x67452301;
	v8 =	vadd.f32 v4, v8;
	v5 =	vadd.f32 v5, v10  }
0x1f: {  	v6 =	vadd.f32 v6, v11;
	v3 =	vunpack.c.l.s4.s8 v3;
	v4 =	vperm.xlane v7, v0  }
0x20: {  	v9 =	vunpack.c.0.s8.s32 v9;
	v10 =	vperm.xlane v8, v0;
	v11 =	vperm.xlane v5, v0  }
0x21: {  	v12 =	vperm.xlane v6, v0;
	v3 =	vunpack.c.0.s8.s32 v3;
	v4 =	vmax.f32 v7, v4  }
0x22: {  	v10 =	vmax.f32 v8, v10;
	v11 =	vmax.f32 v5, v11;
	v13 =	vperm.xlane v4, v1  }
0x23: {  	v12 =	vmax.f32 v6, v12;
	v14 =	vperm.xlane v10, v1;
	v15 =	vperm.xlane v11, v1  }
0x24: {  	v3 =	vcombine.low v3, v9;
	v9 =	vperm.xlane v12, v1;
	v13 =	vmax.f32 v4, v13  }
0x25: {  	v10 =	vmax.f32 v10, v14;
	v11 =	vmax.f32 v11, v15;
	v14 =	vperm.xlane v13, v2  }
0x26: {  	v9 =	vmax.f32 v12, v9;
	v15 =	vperm.xlane v10, v2;
	v12 =	vperm.xlane v11, v2  }
0x27: {  	v4 =	vand.u32 $0xF, v3;
	v3 =	vperm.xlane v9, v2;
	v13 =	vmax.f32 v13, v14  }
0x28: {  	v10 =	vmax.f32 v10, v15;
	v11 =	vmax.f32 v11, v12;
	v12 =	vperm.xlane v13, v4  }
0x29: {  	v9 =	vmax.f32 v9, v3;
	v14 =	vperm.xlane v10, v4;
	v15 =	vperm.xlane v11, v4  }
0x2a: {  	v3 =	vlaneseq.u32;
	v16 =	vperm.xlane v9, v4;
	v12 =	vmax.f32 v13, v12  }
0x2b: {  	v10 =	vmax.f32 v10, v14;
	v11 =	vmax.f32 v11, v15;
	vm0 =	veq.f32 v7, v12  }
0x2c: {  	v9 =	vmax.f32 v9, v16;
	vm1 =	veq.f32 v5, v11;
	v13 =	vnsel vm0, $0x10, v3  }
0x2d: {  	vm0 =	veq.f32 v6, v9;
	v14 =	vnsel vm1, $0x10, v3;
	v15 =	vperm.xlane v13, v0  }
0x2e: {  	vm1 =	veq.f32 v8, v10;
	v39 =	vnsel vm0, $0x10, v3;
	v17 =	vperm.xlane v14, v0  }
0x2f: {  	v18 =	vnsel vm1, $0x10, v3;
	v19 =	vperm.xlane v39, v0;
	vm0 =	vlt.s32 v13, v15  }
0x30: {  	v20 =	vperm.xlane v18, v0;
	vm1 =	vlt.s32 v14, v17;
	v13 =	vsel vm0, v13, v15  }
0x31: {  	vm0 =	vlt.s32 v39, v19;
	v14 =	vsel vm1, v14, v17;
	v15 =	vperm.xlane v13, v1  }
0x32: {  	vm1 =	vlt.s32 v18, v20;
	v16 =	vsel vm0, v39, v19;
	v17 =	vperm.xlane v14, v1  }
0x33: {  	v18 =	vsel vm1, v18, v20;
	v19 =	vperm.xlane v16, v1;
	vm0 =	vlt.s32 v13, v15  }
0x34: {  	v20 =	vperm.xlane v18, v1;
	vm1 =	vlt.s32 v14, v17;
	v13 =	vsel vm0, v13, v15  }
0x35: {  	vm0 =	vlt.s32 v16, v19;
	v14 =	vsel vm1, v14, v17;
	v15 =	vperm.xlane v13, v2  }
0x36: {  	v16 =	vsel vm0, v16, v19;
	v17 =	vperm.xlane v14, v2  }
0x37: {  	vm0 =	vlt.s32 v18, v20;
	v19 =	vperm.xlane v16, v2;
	vm1 =	vlt.s32 v13, v15  }
0x38: {  	v18 =	vsel vm0, v18, v20;
	vm0 =	vlt.s32 v14, v17;
	v13 =	vsel vm1, v13, v15  }
0x39: {  	v15 =	vperm.xlane v18, v2;
	vm1 =	vlt.s32 v16, v19;
	v14 =	vsel vm0, v14, v17  }
0x3a: {  	v40 =	vperm.xlane v13, v4;
	v16 =	vsel vm1, v16, v19;
	v41 =	vperm.xlane v14, v4  }
0x3b: {  	vm0 =	vlt.s32 v18, v15;
	v42 =	vperm.xlane v16, v4  }
0x3c: {  	vm1 =	vlt.s32 v13, v40;
	v15 =	vsel vm0, v18, v15;
	vm0 =	vlt.s32 v14, v41  }
0x3d: {  	v13 =	vsel vm1, v13, v40;
	v43 =	vperm.xlane v15, v4;
	vm1 =	vlt.s32 v16, v42  }
0x3e: {  	v14 =	vsel vm0, v14, v41;
	vm0 =	veq.s32 v13, v3;
	v13 =	vsel vm1, v16, v42  }
0x3f: {  	vm3 =	veq.s32 v14, v3;
	v7 =	vsel vm0, $0xF149F2CA, v7;
	vm1 =	veq.s32 v13, v3  }
0x40: {  	v5 =	vsel vm3, $0xF149F2CA, v5;
	vm2 =	vlt.s32 v15, v43;
	v13 =	vperm.xlane v7, v0  }
0x41: {  	v6 =	vsel vm1, $0xF149F2CA, v6;
	v14 =	vperm.xlane v5, v0;
	v15 =	vsel vm2, v15, v43  }
0x42: {  	v44 =	vperm.xlane v6, v0;
	vm2 =	veq.s32 v15, v3;
	v13 =	vmax.f32 v7, v13  }
0x43: {  	v14 =	vmax.f32 v5, v14;
	v8 =	vsel vm2, $0xF149F2CA, v8;
	v45 =	vperm.xlane v13, v1  }
0x44: {  	v15 =	vmax.f32 v6, v44;
	v46 =	vperm.xlane v14, v1;
	v48 =	vperm.xlane v8, v0  }
0x45: {  	v47 =	vperm.xlane v15, v1;
	v13 =	vmax.f32 v13, v45  }
0x46: {  	v14 =	vmax.f32 v14, v46;
	v17 =	vmax.f32 v8, v48;
	v49 =	vperm.xlane v13, v2  }
0x47: {  	v15 =	vmax.f32 v15, v47;
	v50 =	vperm.xlane v14, v2;
	v52 =	vperm.xlane v17, v1  }
0x48: {  	v51 =	vperm.xlane v15, v2  }
0x49: {  	v13 =	vmax.f32 v13, v49;
	v14 =	vmax.f32 v14, v50;
	v16 =	vmax.f32 v17, v52  }
0x4a: {  	v53 =	vperm.xlane v13, v4;
	v15 =	vmax.f32 v15, v51;
	v54 =	vperm.xlane v14, v4  }
0x4b: {  	v56 =	vperm.xlane v16, v2;
	v55 =	vperm.xlane v15, v4  }
0x4c: {  	v13 =	vmax.f32 v13, v53;
	v14 =	vmax.f32 v14, v54  }
0x4d: {  	v16 =	vmax.f32 v16, v56;
	v12 =	vsub.f32 v13, v12;
	v15 =	vmax.f32 v15, v55  }
0x4e: {  	v11 =	vsub.f32 v14, v11;
	v57 =	vperm.xlane v16, v4;
	vm5 =	veq.f32 v5, v14  }
0x4f: {  	v9 =	vsub.f32 v15, v9;
	vm4 =	veq.f32 v6, v15;
	v12 =	vmul.f32 $1.442695020e+00, v12  }
0x50: {  	v5 =	vmul.f32 $1.442695020e+00, v11;
	v6 =	vmax.f32 v16, v57;
	v11 =	vnsel vm5, $0x10, v3  }
0x51: {  	v9 =	vmul.f32 $1.442695020e+00, v9;
	v10 =	vsub.f32 v6, v10;
	(erf) = vpow2.f32 v12  }
0x52: {  	v12 =	vperm.xlane v11, v0;
	(erf) = vpow2.f32 v5;
	v5 =	vnsel vm4, $0x10, v3  }
0x53: {  	(erf) = vpow2.f32 v9;
	v9 =	vperm.xlane v5, v0  }
0x54: {  	v10 =	vmul.f32 $1.442695020e+00, v10;
	vm4 =	vlt.s32 v11, v12  }
0x55: {  	vm5 =	veq.f32 v7, v13;
	v7 =	vsel vm4, v11, v12;
	vm6 =	vlt.s32 v5, v9  }
0x56: {  	vm4 =	veq.f32 v8, v6;
	(erf) = vpow2.f32 v10;
	v6 =	vsel vm6, v5, v9  }
0x57: {  	v8 =	vnsel vm4, $0x10, v3;
	v10 =	vperm.xlane v6, v1  }
0x58: {  	v11 =	vnsel vm5, $0x10, v3;
	v9 =	vperm.xlane v7, v1;
	v12 =	vperm.xlane v8, v0  }
0x59: {  	v13 =	vperm.xlane v11, v0;
	vm5 =	vlt.s32 v6, v10  }
0x5a: {  	vm4 =	vlt.s32 v7, v9;
	vm15 =	vlt.s32 v8, v12;
	v5 =	vpop (erf);
	v10 =	vsel vm5, v6, v10  }
0x5b: {  	v12 =	vsel vm15, v8, v12;
	v14 =	vadd.f32 $1.000000000e+00, v5;
	v6 =	vpop (erf);
	v8 =	vperm.xlane v10, v2  }
0x5c: {  	v9 =	vsel vm4, v7, v9;
	vm4 =	vlt.s32 v11, v13;
	v15 =	vadd.f32 $1.000000000e+00, v6;
	v7 =	vpop (erf)  }
0x5d: {  	s8 =	ssub.s32 $0x2, s8;
	v11 =	vsel vm4, v11, v13;
	(erf) = vrcp.f32 v14;
	v58 =	vadd.f32 $1.000000000e+00, v7  }
0x5e: {  	s9 =	sshrl.u32 s8, $0x1;
	v13 =	vperm.xlane v11, v1;
	vm4 =	vlt.s32 v10, v8;
	(erf) = vrcp.f32 v15  }
0x5f: {  	s8 =	ssub.s32 s8, s9;
	v14 =	vperm.xlane v12, v1;
	v10 =	vsel vm4, v10, v8;
	(erf) = vrcp.f32 v58;
	v8 =	vpop (erf)  }
0x60: {  	s9 =	smax.u32 s8, $0x1;
	vm5 =	vlt.s32 v11, v13;
	v15 =	vperm.xlane v9, v2;
	v60 =	vadd.f32 $1.000000000e+00, v8  }
0x61: {  	p0 =	sne.s32 s9, $0x1;
	v61 =	vsel vm5, v11, v13;
	v59 =	vperm.xlane v10, v4;
	vm4 =	vlt.s32 v12, v14  }
.Ltmp1:
0x62: {  	v62 =	vperm.xlane v61, v2;
	v12 =	vsel vm4, v12, v14;
	(erf) = vrcp.f32 v60;
	(pc) =	sbr.rel @!p0 .LBB2_3-.Ltmp1, $4  }
0x63: {  	vm5 =	vlt.s32 v9, v15;
	vm4 =	vlt.s32 v10, v59;
	v63 =	vperm.xlane v12, v2  }
0x64: {  	v13 =	vsel vm5, v9, v15;
	v11 =	vsel vm4, v10, v59  }
0x65: {  	vm4 =	vlt.s32 v61, v62;
	v14 =	vperm.xlane v13, v4;
	vm5 =	vlt.s32 v12, v63  }
0x66: {  	s7 =	sadd.s32 $0x1200, s7;
	s8 =	simm.s32 $0x400;
	s9 =	sadd.s32 $0xFFFFFFFF, s9;
	v10 =	vsel vm4, v61, v62;
	v12 =	vsel vm5, v12, v63;
	v9 =	vpop (erf)  }
.LBB2_2:
0x67: {  	p0 =	sne.s32 s9, $0x1;
	s9 =	sadd.s32 $0xFFFFFFFF, s9;
	vm4 =	vlt.s32 v13, v14;
	v15 =	vperm.xlane v10, v4;
	v16 =	vperm.xlane v12, v4;
	v17 =	vpop (erf)  }
0x68: {  	v13 =	vsel vm4, v13, v14;
	v14 =	vnsel vm3, $0x0, v17;
	v6 =	vmul.f32 v17, v6;
	v17 =	vpop (erf)  }
0x69: {  	v5 =	vmul.f32 v9, v5;
	v18 =	vnsel vm1, $0x0, v17;
	v7 =	vmul.f32 v17, v7  }
0x6a: {  	vm1 =	veq.s32 v11, v3;
	vm3 =	vlt.s32 v10, v15;
	vm4 =	vlt.s32 v12, v16  }
0x6b: {  	v11 =	vsel vm4, v12, v16;
	v7 =	vnsel vm1, $0x0, v7;
	vm1 =	veq.s32 v13, v3;
	v12 =	vpop (erf)  }
0x6c: {  	v7 =	vadd.f32 v7, v18;
	v13 =	vnsel vm2, $0x0, v12;
	v8 =	vmul.f32 v12, v8  }
0x6d: {  	v10 =	vsel vm3, v10, v15;
	v6 =	vnsel vm1, $0x0, v6;
	vm1 =	veq.s32 v11, v3  }
0x6e: {  	vm2 =	veq.s32 v10, v3;
	v6 =	vadd.f32 v6, v14;
	[tilespmem:$0x400] =	vst v7;
	v7 =	vnsel vm1, $0x0, v8  }
0x6f: {  	v5 =	vnsel vm2, $0x0, v5;
	v8 =	vnsel vm0, $0x0, v9;
	v7 =	vadd.f32 v7, v13  }
0x70: {  	v5 =	vadd.f32 v5, v8;
	[tilespmem:$0x480] =	vst v6  }
0x71: {  	[tilespmem:$0x580] =	vst v7  }
0x72: {  	[tilespmem:$0x500] =	vst v5  }
0x73: {  	[hbm4b:s7+s3] =	stream.linear.scatter [tilespmem:s8], [sflag:$0x1], $0x200, $0x38;
	[tilespmem:$0x600] =	vst v63  }
0x74: {  	_ =	swait.ge [sflag:s2], $0x200  }
0x75: {  	[sflag:s2] =	ssyncset.done $0x0  }
0x76: {  	[sflag:s2] =	ssyncadd.s32 $0xFFFFFE00  }
0x77: {  	[tilespmem:s3], [sflag:$0x1] =	stream.linear.gather [hbm4b:s4+s3], $0x200, $0x38;
	[tilespmem:$0x600] =	vst v63  }
0x78: {  	_ =	swait.ge [sflag:s2], $0x200  }
0x79: {  	[sflag:s2] =	ssyncset.done $0x0  }
0x7a: {  	[sflag:s2] =	ssyncadd.s32 $0xFFFFFE00  }
0x7b: {  	[tilespmem:s6], [sflag:$0x1] =	stream.linear.gather [hbm4b:s5+s3], $0x200, $0x38;
	[tilespmem:$0x600] =	vst v63  }
0x7c: {  	_ =	swait.ge [sflag:s2], $0x200  }
0x7d: {  	[sflag:s2] =	ssyncset.done $0x0  }
0x7e: {  	[sflag:s2] =	ssyncadd.s32 $0xFFFFFE00  }
0x7f: {  	v5 =	vld [tilespmem:$0x380]  }
0x80: {  	v7 =	vld [tilespmem:$0x300]  }
0x81: {  	v6 =	vld [tilespmem:$0x180]  }
0x82: {  	v8 =	vld [tilespmem:$0x100]  }
0x83: {  	v9 =	vld [tilespmem:$0x80]  }
0x84: {  	v10 =	vld [tilespmem:$0x0]  }
0x85: {  	v11 =	vld [tilespmem:$0x280]  }
0x86: {  	v12 =	vld [tilespmem:$0x200];
	v6 =	vmul.f32 $4.882812500e-04, v6  }
0x87: {  	v8 =	vmul.f32 $4.882812500e-04, v8  }
0x88: {  	v9 =	vmul.f32 $4.882812500e-04, v9;
	v6 =	vadd.f32 v5, v6  }
0x89: {  	v5 =	vmul.f32 $4.882812500e-04, v10;
	v10 =	vadd.f32 v7, v8  }
0x8a: {  	v9 =	vadd.f32 v11, v9;
	v7 =	vperm.xlane v6, v0  }
0x8b: {  	v11 =	vadd.f32 v12, v5;
	v5 =	vperm.xlane v10, v0  }
0x8c: {  	v8 =	vperm.xlane v9, v0;
	v7 =	vmax.f32 v6, v7  }
0x8d: {  	v12 =	vperm.xlane v11, v0;
	v5 =	vmax.f32 v10, v5;
	v13 =	vperm.xlane v7, v1  }
0x8e: {  	v8 =	vmax.f32 v9, v8;
	v14 =	vperm.xlane v5, v1  }
0x8f: {  	v12 =	vmax.f32 v11, v12;
	v15 =	vperm.xlane v8, v1;
	v7 =	vmax.f32 v7, v13  }
0x90: {  	v13 =	vperm.xlane v12, v1;
	v5 =	vmax.f32 v5, v14;
	v14 =	vperm.xlane v7, v2  }
0x91: {  	v8 =	vmax.f32 v8, v15;
	v15 =	vperm.xlane v5, v2  }
0x92: {  	v12 =	vmax.f32 v12, v13;
	v13 =	vperm.xlane v8, v2;
	v7 =	vmax.f32 v7, v14  }
0x93: {  	v14 =	vperm.xlane v12, v2;
	v15 =	vmax.f32 v5, v15;
	v5 =	vperm.xlane v7, v4  }
0x94: {  	v13 =	vmax.f32 v8, v13;
	v8 =	vperm.xlane v15, v4  }
0x95: {  	v12 =	vmax.f32 v12, v14;
	v14 =	vperm.xlane v13, v4;
	v5 =	vmax.f32 v7, v5  }
0x96: {  	v16 =	vperm.xlane v12, v4;
	v8 =	vmax.f32 v15, v8;
	vm0 =	veq.f32 v6, v5  }
0x97: {  	v7 =	vmax.f32 v13, v14;
	vm1 =	veq.f32 v10, v8;
	v13 =	vnsel vm0, $0x10, v3  }
0x98: {  	v12 =	vmax.f32 v12, v16;
	vm0 =	veq.f32 v9, v7;
	v14 =	vnsel vm1, $0x10, v3  }
0x99: {  	vm1 =	veq.f32 v11, v12;
	v15 =	vnsel vm0, $0x10, v3;
	v16 =	vperm.xlane v14, v0  }
0x9a: {  	v19 =	vperm.xlane v13, v0;
	v17 =	vnsel vm1, $0x10, v3;
	v18 =	vperm.xlane v15, v0  }
0x9b: {  	v20 =	vperm.xlane v17, v0;
	vm0 =	vlt.s32 v14, v16  }
0x9c: {  	vm1 =	vlt.s32 v15, v18;
	v14 =	vsel vm0, v14, v16;
	vm0 =	vlt.s32 v13, v19  }
0x9d: {  	vm2 =	vlt.s32 v17, v20;
	v15 =	vsel vm1, v15, v18;
	v16 =	vperm.xlane v14, v1  }
0x9e: {  	v13 =	vsel vm0, v13, v19;
	v17 =	vsel vm2, v17, v20;
	v18 =	vperm.xlane v15, v1  }
0x9f: {  	v20 =	vperm.xlane v13, v1;
	v19 =	vperm.xlane v17, v1;
	vm0 =	vlt.s32 v14, v16  }
0xa0: {  	vm1 =	vlt.s32 v15, v18;
	v14 =	vsel vm0, v14, v16  }
0xa1: {  	vm0 =	vlt.s32 v17, v19;
	v15 =	vsel vm1, v15, v18;
	v16 =	vperm.xlane v14, v2  }
0xa2: {  	v17 =	vsel vm0, v17, v19;
	v18 =	vperm.xlane v15, v2;
	vm0 =	vlt.s32 v13, v20  }
0xa3: {  	v19 =	vperm.xlane v17, v2;
	vm1 =	vlt.s32 v14, v16;
	v13 =	vsel vm0, v13, v20  }
0xa4: {  	vm0 =	vlt.s32 v15, v18;
	v14 =	vsel vm1, v14, v16;
	v16 =	vperm.xlane v13, v2  }
0xa5: {  	vm1 =	vlt.s32 v17, v19;
	v15 =	vsel vm0, v15, v18;
	v18 =	vperm.xlane v14, v4  }
0xa6: {  	v17 =	vsel vm1, v17, v19;
	v19 =	vperm.xlane v15, v4;
	vm0 =	vlt.s32 v13, v16  }
0xa7: {  	v20 =	vperm.xlane v17, v4;
	vm1 =	vlt.s32 v14, v18;
	v13 =	vsel vm0, v13, v16  }
0xa8: {  	vm0 =	vlt.s32 v15, v19;
	v14 =	vsel vm1, v14, v18;
	v16 =	vperm.xlane v13, v4  }
0xa9: {  	vm1 =	vlt.s32 v17, v20;
	v15 =	vsel vm0, v15, v19;
	vm0 =	veq.s32 v14, v3  }
0xaa: {  	v14 =	vsel vm1, v17, v20;
	vm3 =	veq.s32 v15, v3;
	v10 =	vsel vm0, $0xF149F2CA, v10  }
0xab: {  	vm1 =	veq.s32 v14, v3;
	v9 =	vsel vm3, $0xF149F2CA, v9;
	v14 =	vperm.xlane v10, v0  }
0xac: {  	vm2 =	vlt.s32 v13, v16;
	v11 =	vsel vm1, $0xF149F2CA, v11;
	v15 =	vperm.xlane v9, v0  }
0xad: {  	v13 =	vsel vm2, v13, v16;
	v17 =	vperm.xlane v11, v0;
	v14 =	vmax.f32 v10, v14  }
0xae: {  	vm2 =	veq.s32 v13, v3;
	v15 =	vmax.f32 v9, v15;
	v16 =	vperm.xlane v14, v1  }
0xaf: {  	v6 =	vsel vm2, $0xF149F2CA, v6;
	v13 =	vmax.f32 v11, v17;
	v17 =	vperm.xlane v15, v1  }
0xb0: {  	v18 =	vperm.xlane v13, v1;
	v14 =	vmax.f32 v14, v16;
	v16 =	vperm.xlane v6, v0  }
0xb1: {  	v15 =	vmax.f32 v15, v17;
	v17 =	vperm.xlane v14, v2  }
0xb2: {  	v13 =	vmax.f32 v13, v18;
	v18 =	vperm.xlane v15, v2;
	v16 =	vmax.f32 v6, v16  }
0xb3: {  	v19 =	vperm.xlane v13, v2;
	v14 =	vmax.f32 v14, v17;
	v17 =	vperm.xlane v16, v1  }
0xb4: {  	v15 =	vmax.f32 v15, v18;
	v18 =	vperm.xlane v14, v4  }
0xb5: {  	v13 =	vmax.f32 v13, v19;
	v19 =	vperm.xlane v15, v4;
	v16 =	vmax.f32 v16, v17  }
0xb6: {  	v17 =	vperm.xlane v13, v4;
	v14 =	vmax.f32 v14, v18;
	v18 =	vperm.xlane v16, v2  }
0xb7: {  	v15 =	vmax.f32 v15, v19;
	vm4 =	veq.f32 v10, v14;
	v8 =	vsub.f32 v14, v8  }
0xb8: {  	v10 =	vmax.f32 v13, v17;
	v7 =	vsub.f32 v15, v7;
	v13 =	vmax.f32 v16, v18  }
0xb9: {  	v12 =	vsub.f32 v10, v12;
	v8 =	vmul.f32 $1.442695020e+00, v8;
	v14 =	vperm.xlane v13, v4  }
0xba: {  	vm6 =	veq.f32 v9, v15;
	vm5 =	veq.f32 v11, v10;
	v7 =	vmul.f32 $1.442695020e+00, v7  }
0xbb: {  	v9 =	vmul.f32 $1.442695020e+00, v12;
	v10 =	vmax.f32 v13, v14;
	(erf) = vpow2.f32 v8  }
0xbc: {  	v8 =	vnsel vm6, $0x10, v3;
	v5 =	vsub.f32 v10, v5;
	(erf) = vpow2.f32 v7  }
0xbd: {  	v7 =	vnsel vm5, $0x10, v3;
	v11 =	vperm.xlane v8, v0;
	(erf) = vpow2.f32 v9  }
0xbe: {  	vm5 =	veq.f32 v6, v10;
	v9 =	vperm.xlane v7, v0;
	v5 =	vmul.f32 $1.442695020e+00, v5  }
0xbf: {  	v10 =	vnsel vm4, $0x10, v3;
	v6 =	vnsel vm5, $0x10, v3;
	vm6 =	vlt.s32 v8, v11  }
0xc0: {  	vm4 =	vlt.s32 v7, v9;
	v8 =	vsel vm6, v8, v11;
	(erf) = vpow2.f32 v5  }
0xc1: {  	v7 =	vsel vm4, v7, v9;
	v14 =	vperm.xlane v8, v1;
	v9 =	vperm.xlane v6, v0  }
0xc2: {  	v12 =	vperm.xlane v10, v0;
	v11 =	vperm.xlane v7, v1  }
0xc3: {  	vm4 =	vlt.s32 v8, v14;
	vm5 =	vlt.s32 v6, v9  }
0xc4: {  	vm6 =	vlt.s32 v7, v11;
	v13 =	vsel vm4, v8, v14;
	v9 =	vsel vm5, v6, v9;
	v5 =	vpop (erf)  }
0xc5: {  	v8 =	vsel vm6, v7, v11;
	v14 =	vperm.xlane v9, v1;
	v11 =	vadd.f32 $1.000000000e+00, v5;
	v6 =	vpop (erf)  }
0xc6: {  	v16 =	vperm.xlane v13, v2;
	v15 =	vperm.xlane v8, v2;
	v17 =	vadd.f32 $1.000000000e+00, v6;
	v7 =	vpop (erf)  }
0xc7: {  	vm4 =	vlt.s32 v10, v12;
	v18 =	vadd.f32 $1.000000000e+00, v7;
	(erf) = vrcp.f32 v11  }
0xc8: {  	v10 =	vsel vm4, v10, v12;
	vm5 =	vlt.s32 v8, v15;
	(erf) = vrcp.f32 v17  }
0xc9: {  	v12 =	vperm.xlane v10, v1;
	v11 =	vsel vm5, v8, v15;
	(erf) = vrcp.f32 v18;
	v8 =	vpop (erf)  }
0xca: {  	vm4 =	vlt.s32 v9, v14;
	v15 =	vperm.xlane v11, v4;
	v17 =	vadd.f32 $1.000000000e+00, v8  }
0xcb: {  	vm6 =	vlt.s32 v10, v12;
	v9 =	vsel vm4, v9, v14;
	vm5 =	vlt.s32 v13, v16  }
.Ltmp2:
0xcc: {  	v10 =	vsel vm6, v10, v12;
	vm4 =	vlt.s32 v11, v15;
	(erf) = vrcp.f32 v17;
	(pc) =	sbr.rel @p0 .LBB2_2-.Ltmp2, $4  }
0xcd: {  	v12 =	vperm.xlane v10, v2;
	v11 =	vsel vm4, v11, v15;
	v15 =	vperm.xlane v9, v2  }
0xce: {  	v13 =	vsel vm5, v13, v16  }
0xcf: {  	v14 =	vperm.xlane v13, v4;
	vm4 =	vlt.s32 v10, v12;
	vm5 =	vlt.s32 v9, v15  }
0xd0: {  	v10 =	vsel vm4, v10, v12;
	v12 =	vsel vm5, v9, v15;
	v9 =	vpop (erf)  }
.LBB2_3:
0xd1: {  	vm4 =	vlt.s32 v13, v14;
	v0 =	vperm.xlane v10, v4;
	v1 =	vperm.xlane v12, v4  }
0xd2: {  	v2 =	vpop (erf);
	v5 =	vmul.f32 v9, v5;
	vm10 =	veq.s32 v11, v3;
	v62 =	vnsel vm0, $0x0, v9  }
0xd3: {  	v54 =	vsel vm4, v13, v14;
	v55 =	vnsel vm3, $0x0, v2;
	v2 =	vmul.f32 v2, v6;
	v56 =	vpop (erf)  }
0xd4: {  	v57 =	vnsel vm1, $0x0, v56;
	v6 =	vmul.f32 v56, v7;
	vm12 =	vlt.s32 v12, v1  }
0xd5: {  	vm11 =	vlt.s32 v10, v0;
	vm13 =	veq.s32 v54, v3;
	v1 =	vsel vm12, v12, v1  }
0xd6: {  	v2 =	vnsel vm13, $0x0, v2;
	v0 =	vsel vm11, v10, v0;
	v6 =	vnsel vm10, $0x0, v6;
	v58 =	vpop (erf)  }
0xd7: {  	v60 =	vadd.f32 v2, v55;
	vm15 =	veq.s32 v0, v3;
	v4 =	vmul.f32 v58, v8  }
0xd8: {  	vm14 =	veq.s32 v1, v3;
	v6 =	vadd.f32 v6, v57;
	v3 =	vnsel vm15, $0x0, v5  }
0xd9: {  	v59 =	vnsel vm2, $0x0, v58;
	[tilespmem:$0x480] =	vst v60;
	v63 =	vadd.f32 v3, v62;
	v61 =	vnsel vm14, $0x0, v4  }
0xda: {  	[tilespmem:$0x400] =	vst v6;
	v0 =	vadd.f32 v61, v59  }
0xdb: {  	[tilespmem:$0x500] =	vst v63  }
0xdc: {  	[tilespmem:$0x580] =	vst v0  }
0xdd: {  	[hbm4b:s7+s3] =	stream.linear.scatter [tilespmem:s8], [sflag:$0x1], $0x200, $0x38;
	[tilespmem:$0x600] =	vst v63  }
0xde: {  	_ =	swait.ge [sflag:s2], $0x200  }
0xdf: {  	[sflag:s2] =	ssyncset.done $0x0  }
0xe0: {  	[sflag:s2] =	ssyncadd.s32 $0xFFFFFE00  }
.LBB2_4:
0xe1: {  	_ =	sfence.sel $0x180000  }
0xe2: {  	[bflag:$0x0] =	sbarrier.arrive $0xFFFF  }
0xe3: {  	p0 =	sne.s32 s0, $0x0;
	_ =	strace $0x90000047  }
0xe4: {  	s0 =	sadd.s32 @!p0 $0x100000, s1;
	[bflag:$0x2] =	sbarrier.arrive $0xFFFF  }
0xe5: {  	[sflag:s0] =	ssyncadd.tile.s32 @!p0 $0x1;
	_ =	shalt  }
.Lfunc_end2:
_tile_overlayer_lowered:
.L_overlay_start_2:
0xe6: {  	(tag) =	ssettag $0x2  }
0xe7: {  	s0 =	rddreg [dreg:$0x0];
	s2 =	stileid.u32  }
0xe8: {  	s1 =	rddreg [dreg:$0x1];
	p0 =	sne.s32 s2, $0x0  }
0xe9: {  	s3 =	rddreg [dreg:$0x2];
	[bflag:$0x3] =	sbarrier.arrive $0xFFFF;
	s2 =	simm.s32 @!p0 $0x1C01  }
0xea: {  	[timem:s3], [sflag:s2] =	dma.local @!p0 [hbm:s0], s1  }
0xeb: {  	s0 =	simm.s32 @!p0 $0x1  }
0xec: {  	_ =	swait.ge @!p0 [sflag:s0], s1  }
0xed: {  	s1 =	ssub.s32 @!p0 $0x0, s1;
	[sflag:s0] =	ssyncset.done @!p0 $0x0  }
0xee: {  	[sflag:s0] =	ssyncadd.s32 @!p0 s1  }
0xef: {  	[bflag:$0x3] =	sbarrier.arrive $0xFFFF  }
0xf0: {  	_ =	shalt  }

</sc_bundles>
